<compile_context>
chip_gen: v7x
topology: tpu7x:2x2x1
jax: 0.10.2.dev20260603
libtpu: 0.0.44.dev20260713+nightly
codegen_flags: <defaults>
</compile_context>

<pallas_src>
import jax
import jax.numpy as jnp
from jax import lax
from jax.experimental import pallas as pl
from jax.experimental.pallas import tpu as pltpu
from jax.experimental.pallas import tpu_sc as plsc

DIM = 1024
SEQ_LEN = 4096
SCALE = DIM ** (-0.5)

_INFO = plsc.get_sparse_core_info()
NC = _INFO.num_cores
NS = _INFO.num_subcores
LANES = _INFO.num_lanes
NW = NC * NS

ROWS_PER_W = SEQ_LEN // NW
CHUNK_ROWS = 16
NCHUNK = ROWS_PER_W // CHUNK_ROWS
SLICES_PER_ROW = DIM // LANES

NBUF = 7
PF = 6


def _scale_chunk(buf):
    def body(i, c):
        r = i >> 6
        col = (i & (SLICES_PER_ROW - 1)) * LANES
        sl = pl.ds(col, LANES)
        buf[r, sl] = buf[r, sl] * SCALE
        return c

    plsc.parallel_loop(
        0, CHUNK_ROWS * SLICES_PER_ROW, 1, unroll=8, carry=jnp.int32(0))(body)


def _body(table_hbm, out_hbm, *scratch):
    bufs = scratch[:NBUF]
    sin = scratch[NBUF:2 * NBUF]
    sout = scratch[2 * NBUF:3 * NBUF]
    wid = lax.axis_index("s") * NC + lax.axis_index("c")
    base_row = wid * ROWS_PER_W

    def start_in(g):
        row = base_row + g * CHUNK_ROWS
        return pltpu.async_copy(
            table_hbm.at[pl.ds(row, CHUNK_ROWS), :], bufs[g % NBUF],
            sin[g % NBUF])

    def start_out(g):
        row = base_row + g * CHUNK_ROWS
        return pltpu.async_copy(
            bufs[g % NBUF], out_hbm.at[pl.ds(row, CHUNK_ROWS), :],
            sout[g % NBUF])

    in_h, out_h, waited = {}, {}, set()
    for g in range(min(PF, NCHUNK)):
        in_h[g] = start_in(g)
    for g in range(NCHUNK):
        n = g + PF
        if n < NCHUNK:
            prev = n - NBUF
            if prev >= 0:
                out_h[prev].wait()
                waited.add(prev)
            in_h[n] = start_in(n)
        in_h[g].wait()
        _scale_chunk(bufs[g % NBUF])
        out_h[g] = start_out(g)
    for g in range(NCHUNK):
        if g not in waited:
            out_h[g].wait()


@jax.jit
def _sc_scale(table):
    mesh = plsc.VectorSubcoreMesh(core_axis_name="c", subcore_axis_name="s")
    fn = pl.kernel(
        _body,
        out_type=jax.ShapeDtypeStruct((SEQ_LEN, DIM), jnp.float32),
        mesh=mesh,
        scratch_types=(
            [pltpu.VMEM((CHUNK_ROWS, DIM), jnp.float32) for _ in range(NBUF)]
            + [pltpu.SemaphoreType.DMA for _ in range(2 * NBUF)]
        ),
    )
    return fn(table)


def kernel(x, table):
    del x
    return _sc_scale(table)

# --- scband reference (transcript-rebuilt; emitter-appended) ---
"""Pipeline reference for scband-absolute-positional-embedding-36249523978657 (READ-ONLY COPY).

The authoritative reference and input builder live on the scoring server;
editing this copy changes nothing except your own understanding.
"""

import jax, jax.numpy as jnp
import numpy as np

DIM = 1024
MAX_SEQ_LEN = 8192

def setup_inputs(seed: int = 0) -> dict:
    key = jax.random.key(seed)
    k1, k2 = jax.random.split(key)
    x = jax.random.randint(k1, (4, 4096), 0, 50000, dtype=jnp.int64) if jax.config.read('jax_enable_x64') else jax.random.randint(k1, (4, 4096), 0, 50000, dtype=jnp.int32)
    table = jax.random.normal(k2, (MAX_SEQ_LEN, DIM), dtype=jnp.float32)
    return {"x": x, "table": table}

def reference(x, table):
    scale = DIM ** (-0.5)
    seq_len = x.shape[1]
    pos = jnp.arange(seq_len)
    emb = jnp.take(table, pos, axis=0)
    return emb * scale

if __name__ == "__main__":
    import jax
    _d = setup_inputs()
    print(jax.jit(kernel)(*tuple(_d.values())))

</pallas_src>

<mosaic_0001>
#map = affine_map<(d0, d1) -> (0, 0)>
module attributes {stable_mosaic.version = 14 : i64} {
  func.func @_body(%arg0: i32, %arg1: i32, %arg2: memref<8192x1024xf32, #tpu.memory_space<hbm>>, %arg3: memref<4096x1024xf32, #tpu.memory_space<hbm>>, %arg4: memref<16x1024xf32, #tpu.memory_space<vmem>>, %arg5: memref<16x1024xf32, #tpu.memory_space<vmem>>, %arg6: memref<16x1024xf32, #tpu.memory_space<vmem>>, %arg7: memref<16x1024xf32, #tpu.memory_space<vmem>>, %arg8: memref<16x1024xf32, #tpu.memory_space<vmem>>, %arg9: memref<16x1024xf32, #tpu.memory_space<vmem>>, %arg10: memref<16x1024xf32, #tpu.memory_space<vmem>>, %arg11: memref<!tpu.dma_semaphore, #tpu.memory_space<semaphore_mem>>, %arg12: memref<!tpu.dma_semaphore, #tpu.memory_space<semaphore_mem>>, %arg13: memref<!tpu.dma_semaphore, #tpu.memory_space<semaphore_mem>>, %arg14: memref<!tpu.dma_semaphore, #tpu.memory_space<semaphore_mem>>, %arg15: memref<!tpu.dma_semaphore, #tpu.memory_space<semaphore_mem>>, %arg16: memref<!tpu.dma_semaphore, #tpu.memory_space<semaphore_mem>>, %arg17: memref<!tpu.dma_semaphore, #tpu.memory_space<semaphore_mem>>, %arg18: memref<!tpu.dma_semaphore, #tpu.memory_space<semaphore_mem>>, %arg19: memref<!tpu.dma_semaphore, #tpu.memory_space<semaphore_mem>>, %arg20: memref<!tpu.dma_semaphore, #tpu.memory_space<semaphore_mem>>, %arg21: memref<!tpu.dma_semaphore, #tpu.memory_space<semaphore_mem>>, %arg22: memref<!tpu.dma_semaphore, #tpu.memory_space<semaphore_mem>>, %arg23: memref<!tpu.dma_semaphore, #tpu.memory_space<semaphore_mem>>, %arg24: memref<!tpu.dma_semaphore, #tpu.memory_space<semaphore_mem>>) attributes {dimension_semantics = [#tpu.dimension_semantics<core_parallel>, #tpu.dimension_semantics<subcore_parallel>], iteration_bounds = array<i64: 2, 16>, scalar_prefetch = 0 : i64, scratch_operands = 21 : i64, tpu.core_type = #tpu.core_type<sc_vector_subcore>, window_params = [{transform_indices = #map}, {transform_indices = #map}]} {
    %mul3A = arith.constant 2 : i32
    %mul3A_0 = arith.muli %arg1, %mul3A : i32
    %add3A = arith.addi %mul3A_0, %arg0 : i32
    %mul3A_1 = arith.constant 128 : i32
    %mul3A_2 = arith.muli %add3A, %mul3A_1 : i32
    %add3A_3 = arith.constant 0 : i32
    %add3A_4 = arith.addi %mul3A_2, %add3A_3 : i32
    %dma_start3A = arith.constant 0 : i32
    %dma_start3A_5 = tpu.memref_slice %arg2[%add3A_4, %dma_start3A] : memref<8192x1024xf32, #tpu.memory_space<hbm>> -> memref<16x1024xf32, #tpu.memory_space<hbm>>
    %dma_start3A_6 = arith.constant 0 : i32
    %dma_start3A_7 = tpu.memref_slice %arg2[%add3A_4, %dma_start3A_6] : memref<8192x1024xf32, #tpu.memory_space<hbm>> -> memref<16x1024xf32, #tpu.memory_space<hbm>>
    tpu.enqueue_dma source(%dma_start3A_7 : memref<16x1024xf32, #tpu.memory_space<hbm>>) target(%arg4 : memref<16x1024xf32, #tpu.memory_space<vmem>>) target_semaphore(%arg11 : memref<!tpu.dma_semaphore, #tpu.memory_space<semaphore_mem>>)
    %add3A_8 = arith.constant 16 : i32
    %add3A_9 = arith.addi %mul3A_2, %add3A_8 : i32
    %dma_start3A_10 = arith.constant 0 : i32
    %dma_start3A_11 = tpu.memref_slice %arg2[%add3A_9, %dma_start3A_10] : memref<8192x1024xf32, #tpu.memory_space<hbm>> -> memref<16x1024xf32, #tpu.memory_space<hbm>>
    %dma_start3A_12 = arith.constant 0 : i32
    %dma_start3A_13 = tpu.memref_slice %arg2[%add3A_9, %dma_start3A_12] : memref<8192x1024xf32, #tpu.memory_space<hbm>> -> memref<16x1024xf32, #tpu.memory_space<hbm>>
    tpu.enqueue_dma source(%dma_start3A_13 : memref<16x1024xf32, #tpu.memory_space<hbm>>) target(%arg5 : memref<16x1024xf32, #tpu.memory_space<vmem>>) target_semaphore(%arg12 : memref<!tpu.dma_semaphore, #tpu.memory_space<semaphore_mem>>)
    %add3A_14 = arith.constant 32 : i32
    %add3A_15 = arith.addi %mul3A_2, %add3A_14 : i32
    %dma_start3A_16 = arith.constant 0 : i32
    %dma_start3A_17 = tpu.memref_slice %arg2[%add3A_15, %dma_start3A_16] : memref<8192x1024xf32, #tpu.memory_space<hbm>> -> memref<16x1024xf32, #tpu.memory_space<hbm>>
    %dma_start3A_18 = arith.constant 0 : i32
    %dma_start3A_19 = tpu.memref_slice %arg2[%add3A_15, %dma_start3A_18] : memref<8192x1024xf32, #tpu.memory_space<hbm>> -> memref<16x1024xf32, #tpu.memory_space<hbm>>
    tpu.enqueue_dma source(%dma_start3A_19 : memref<16x1024xf32, #tpu.memory_space<hbm>>) target(%arg6 : memref<16x1024xf32, #tpu.memory_space<vmem>>) target_semaphore(%arg13 : memref<!tpu.dma_semaphore, #tpu.memory_space<semaphore_mem>>)
    %add3A_20 = arith.constant 48 : i32
    %add3A_21 = arith.addi %mul3A_2, %add3A_20 : i32
    %dma_start3A_22 = arith.constant 0 : i32
    %dma_start3A_23 = tpu.memref_slice %arg2[%add3A_21, %dma_start3A_22] : memref<8192x1024xf32, #tpu.memory_space<hbm>> -> memref<16x1024xf32, #tpu.memory_space<hbm>>
    %dma_start3A_24 = arith.constant 0 : i32
    %dma_start3A_25 = tpu.memref_slice %arg2[%add3A_21, %dma_start3A_24] : memref<8192x1024xf32, #tpu.memory_space<hbm>> -> memref<16x1024xf32, #tpu.memory_space<hbm>>
    tpu.enqueue_dma source(%dma_start3A_25 : memref<16x1024xf32, #tpu.memory_space<hbm>>) target(%arg7 : memref<16x1024xf32, #tpu.memory_space<vmem>>) target_semaphore(%arg14 : memref<!tpu.dma_semaphore, #tpu.memory_space<semaphore_mem>>)
    %add3A_26 = arith.constant 64 : i32
    %add3A_27 = arith.addi %mul3A_2, %add3A_26 : i32
    %dma_start3A_28 = arith.constant 0 : i32
    %dma_start3A_29 = tpu.memref_slice %arg2[%add3A_27, %dma_start3A_28] : memref<8192x1024xf32, #tpu.memory_space<hbm>> -> memref<16x1024xf32, #tpu.memory_space<hbm>>
    %dma_start3A_30 = arith.constant 0 : i32
    %dma_start3A_31 = tpu.memref_slice %arg2[%add3A_27, %dma_start3A_30] : memref<8192x1024xf32, #tpu.memory_space<hbm>> -> memref<16x1024xf32, #tpu.memory_space<hbm>>
    tpu.enqueue_dma source(%dma_start3A_31 : memref<16x1024xf32, #tpu.memory_space<hbm>>) target(%arg8 : memref<16x1024xf32, #tpu.memory_space<vmem>>) target_semaphore(%arg15 : memref<!tpu.dma_semaphore, #tpu.memory_space<semaphore_mem>>)
    %add3A_32 = arith.constant 80 : i32
    %add3A_33 = arith.addi %mul3A_2, %add3A_32 : i32
    %dma_start3A_34 = arith.constant 0 : i32
    %dma_start3A_35 = tpu.memref_slice %arg2[%add3A_33, %dma_start3A_34] : memref<8192x1024xf32, #tpu.memory_space<hbm>> -> memref<16x1024xf32, #tpu.memory_space<hbm>>
    %dma_start3A_36 = arith.constant 0 : i32
    %dma_start3A_37 = tpu.memref_slice %arg2[%add3A_33, %dma_start3A_36] : memref<8192x1024xf32, #tpu.memory_space<hbm>> -> memref<16x1024xf32, #tpu.memory_space<hbm>>
    tpu.enqueue_dma source(%dma_start3A_37 : memref<16x1024xf32, #tpu.memory_space<hbm>>) target(%arg9 : memref<16x1024xf32, #tpu.memory_space<vmem>>) target_semaphore(%arg16 : memref<!tpu.dma_semaphore, #tpu.memory_space<semaphore_mem>>)
    %add3A_38 = arith.constant 96 : i32
    %add3A_39 = arith.addi %mul3A_2, %add3A_38 : i32
    %dma_start3A_40 = arith.constant 0 : i32
    %dma_start3A_41 = tpu.memref_slice %arg2[%add3A_39, %dma_start3A_40] : memref<8192x1024xf32, #tpu.memory_space<hbm>> -> memref<16x1024xf32, #tpu.memory_space<hbm>>
    %dma_start3A_42 = arith.constant 0 : i32
    %dma_start3A_43 = tpu.memref_slice %arg2[%add3A_39, %dma_start3A_42] : memref<8192x1024xf32, #tpu.memory_space<hbm>> -> memref<16x1024xf32, #tpu.memory_space<hbm>>
    tpu.enqueue_dma source(%dma_start3A_43 : memref<16x1024xf32, #tpu.memory_space<hbm>>) target(%arg10 : memref<16x1024xf32, #tpu.memory_space<vmem>>) target_semaphore(%arg17 : memref<!tpu.dma_semaphore, #tpu.memory_space<semaphore_mem>>)
    %dma_wait3A = arith.constant 0 : i32
    %dma_wait3A_44 = tpu.memref_slice %arg2[%add3A_4, %dma_wait3A] : memref<8192x1024xf32, #tpu.memory_space<hbm>> -> memref<16x1024xf32, #tpu.memory_space<hbm>>
    %dma_wait3A_45 = arith.constant 0 : i32
    %dma_wait3A_46 = tpu.memref_slice %arg2[%add3A_4, %dma_wait3A_45] : memref<8192x1024xf32, #tpu.memory_space<hbm>> -> memref<16x1024xf32, #tpu.memory_space<hbm>>
    tpu.wait_dma2 semaphore(%arg11 : memref<!tpu.dma_semaphore, #tpu.memory_space<semaphore_mem>>) src(%dma_wait3A_46 : memref<16x1024xf32, #tpu.memory_space<hbm>>) dst(%arg4 : memref<16x1024xf32, #tpu.memory_space<vmem>>)
    %parallel_loop3A = arith.constant 0 : i32
    %parallel_loop3A_47 = arith.constant 1024 : i32
    %parallel_loop3A_48 = arith.constant 1 : i32
    %parallel_loop3A_49 = arith.constant 0 : i32
    %parallel_loop3A_50 = scf.for %parallel_loop3A_200 = %parallel_loop3A to %parallel_loop3A_47 step %parallel_loop3A_48 iter_args(%parallel_loop3A_201 = %parallel_loop3A_49) -> (i32)  : i32 {
      %parallel_loop3A_202 = arith.constant 6 : i32
      %parallel_loop3A_203 = arith.shrsi %parallel_loop3A_200, %parallel_loop3A_202 : i32
      %parallel_loop3A_204 = arith.constant 63 : i32
      %parallel_loop3A_205 = arith.andi %parallel_loop3A_200, %parallel_loop3A_204 : i32
      %parallel_loop3A_206 = arith.constant 16 : i32
      %parallel_loop3A_207 = arith.muli %parallel_loop3A_205, %parallel_loop3A_206 : i32
      %parallel_loop3A_208 = arith.index_cast %parallel_loop3A_203 : i32 to index
      %parallel_loop3A_209 = arith.index_cast %parallel_loop3A_207 : i32 to index
      %parallel_loop3A_210 = tpu.vector_load %arg4[%parallel_loop3A_208, %parallel_loop3A_209] {strides = array<i32>} : memref<16x1024xf32, #tpu.memory_space<vmem>>, vector<1x16xf32>,
      %parallel_loop3A_211 = vector.shape_cast %parallel_loop3A_210 : vector<1x16xf32> to vector<16xf32>
      %parallel_loop3A_212 = arith.constant 3.125000e-02 : f32
      %parallel_loop3A_213 = vector.broadcast %parallel_loop3A_212 : f32 to vector<16xf32>
      %parallel_loop3A_214 = arith.mulf %parallel_loop3A_211, %parallel_loop3A_213 : vector<16xf32>
      %parallel_loop3A_215 = arith.index_cast %parallel_loop3A_203 : i32 to index
      %parallel_loop3A_216 = arith.index_cast %parallel_loop3A_207 : i32 to index
      %parallel_loop3A_217 = tpu.vector_load %arg4[%parallel_loop3A_215, %parallel_loop3A_216] {strides = array<i32>} : memref<16x1024xf32, #tpu.memory_space<vmem>>, vector<1x16xf32>,
      %parallel_loop3A_218 = vector.shape_cast %parallel_loop3A_217 : vector<1x16xf32> to vector<16xf32>
      %parallel_loop3A_219 = vector.shape_cast %parallel_loop3A_214 : vector<16xf32> to vector<1x16xf32>
      tpu.vector_store %arg4[%parallel_loop3A_215, %parallel_loop3A_216], %parallel_loop3A_219 {strides = array<i32>} : memref<16x1024xf32, #tpu.memory_space<vmem>>, vector<1x16xf32>,
      scf.yield %parallel_loop3A_201 : i32
    } {sc.loop_unroll_factor = 8 : i64, sc.parallel_access}
    %add3A_51 = arith.constant 0 : i32
    %add3A_52 = arith.addi %mul3A_2, %add3A_51 : i32
    %dma_start3A_53 = arith.constant 0 : i32
    %dma_start3A_54 = tpu.memref_slice %arg3[%add3A_52, %dma_start3A_53] : memref<4096x1024xf32, #tpu.memory_space<hbm>> -> memref<16x1024xf32, #tpu.memory_space<hbm>>
    %dma_start3A_55 = arith.constant 0 : i32
    %dma_start3A_56 = tpu.memref_slice %arg3[%add3A_52, %dma_start3A_55] : memref<4096x1024xf32, #tpu.memory_space<hbm>> -> memref<16x1024xf32, #tpu.memory_space<hbm>>
    tpu.enqueue_dma source(%arg4 : memref<16x1024xf32, #tpu.memory_space<vmem>>) target(%dma_start3A_56 : memref<16x1024xf32, #tpu.memory_space<hbm>>) target_semaphore(%arg18 : memref<!tpu.dma_semaphore, #tpu.memory_space<semaphore_mem>>)
    %dma_wait3A_57 = arith.constant 0 : i32
    %dma_wait3A_58 = tpu.memref_slice %arg3[%add3A_52, %dma_wait3A_57] : memref<4096x1024xf32, #tpu.memory_space<hbm>> -> memref<16x1024xf32, #tpu.memory_space<hbm>>
    %dma_wait3A_59 = arith.constant 0 : i32
    %dma_wait3A_60 = tpu.memref_slice %arg3[%add3A_52, %dma_wait3A_59] : memref<4096x1024xf32, #tpu.memory_space<hbm>> -> memref<16x1024xf32, #tpu.memory_space<hbm>>
    tpu.wait_dma2 semaphore(%arg18 : memref<!tpu.dma_semaphore, #tpu.memory_space<semaphore_mem>>) src(%arg4 : memref<16x1024xf32, #tpu.memory_space<vmem>>) dst(%dma_wait3A_60 : memref<16x1024xf32, #tpu.memory_space<hbm>>)
    %add3A_61 = arith.constant 112 : i32
    %add3A_62 = arith.addi %mul3A_2, %add3A_61 : i32
    %dma_start3A_63 = arith.constant 0 : i32
    %dma_start3A_64 = tpu.memref_slice %arg2[%add3A_62, %dma_start3A_63] : memref<8192x1024xf32, #tpu.memory_space<hbm>> -> memref<16x1024xf32, #tpu.memory_space<hbm>>
    %dma_start3A_65 = arith.constant 0 : i32
    %dma_start3A_66 = tpu.memref_slice %arg2[%add3A_62, %dma_start3A_65] : memref<8192x1024xf32, #tpu.memory_space<hbm>> -> memref<16x1024xf32, #tpu.memory_space<hbm>>
    tpu.enqueue_dma source(%dma_start3A_66 : memref<16x1024xf32, #tpu.memory_space<hbm>>) target(%arg4 : memref<16x1024xf32, #tpu.memory_space<vmem>>) target_semaphore(%arg11 : memref<!tpu.dma_semaphore, #tpu.memory_space<semaphore_mem>>)
    %dma_wait3A_67 = arith.constant 0 : i32
    %dma_wait3A_68 = tpu.memref_slice %arg2[%add3A_9, %dma_wait3A_67] : memref<8192x1024xf32, #tpu.memory_space<hbm>> -> memref<16x1024xf32, #tpu.memory_space<hbm>>
    %dma_wait3A_69 = arith.constant 0 : i32
    %dma_wait3A_70 = tpu.memref_slice %arg2[%add3A_9, %dma_wait3A_69] : memref<8192x1024xf32, #tpu.memory_space<hbm>> -> memref<16x1024xf32, #tpu.memory_space<hbm>>
    tpu.wait_dma2 semaphore(%arg12 : memref<!tpu.dma_semaphore, #tpu.memory_space<semaphore_mem>>) src(%dma_wait3A_70 : memref<16x1024xf32, #tpu.memory_space<hbm>>) dst(%arg5 : memref<16x1024xf32, #tpu.memory_space<vmem>>)
    %parallel_loop3A_71 = arith.constant 0 : i32
    %parallel_loop3A_72 = arith.constant 1024 : i32
    %parallel_loop3A_73 = arith.constant 1 : i32
    %parallel_loop3A_74 = arith.constant 0 : i32
    %parallel_loop3A_75 = scf.for %parallel_loop3A_200 = %parallel_loop3A_71 to %parallel_loop3A_72 step %parallel_loop3A_73 iter_args(%parallel_loop3A_201 = %parallel_loop3A_74) -> (i32)  : i32 {
      %parallel_loop3A_202 = arith.constant 6 : i32
      %parallel_loop3A_203 = arith.shrsi %parallel_loop3A_200, %parallel_loop3A_202 : i32
      %parallel_loop3A_204 = arith.constant 63 : i32
      %parallel_loop3A_205 = arith.andi %parallel_loop3A_200, %parallel_loop3A_204 : i32
      %parallel_loop3A_206 = arith.constant 16 : i32
      %parallel_loop3A_207 = arith.muli %parallel_loop3A_205, %parallel_loop3A_206 : i32
      %parallel_loop3A_208 = arith.index_cast %parallel_loop3A_203 : i32 to index
      %parallel_loop3A_209 = arith.index_cast %parallel_loop3A_207 : i32 to index
      %parallel_loop3A_210 = tpu.vector_load %arg5[%parallel_loop3A_208, %parallel_loop3A_209] {strides = array<i32>} : memref<16x1024xf32, #tpu.memory_space<vmem>>, vector<1x16xf32>,
      %parallel_loop3A_211 = vector.shape_cast %parallel_loop3A_210 : vector<1x16xf32> to vector<16xf32>
      %parallel_loop3A_212 = arith.constant 3.125000e-02 : f32
      %parallel_loop3A_213 = vector.broadcast %parallel_loop3A_212 : f32 to vector<16xf32>
      %parallel_loop3A_214 = arith.mulf %parallel_loop3A_211, %parallel_loop3A_213 : vector<16xf32>
      %parallel_loop3A_215 = arith.index_cast %parallel_loop3A_203 : i32 to index
      %parallel_loop3A_216 = arith.index_cast %parallel_loop3A_207 : i32 to index
      %parallel_loop3A_217 = tpu.vector_load %arg5[%parallel_loop3A_215, %parallel_loop3A_216] {strides = array<i32>} : memref<16x1024xf32, #tpu.memory_space<vmem>>, vector<1x16xf32>,
      %parallel_loop3A_218 = vector.shape_cast %parallel_loop3A_217 : vector<1x16xf32> to vector<16xf32>
      %parallel_loop3A_219 = vector.shape_cast %parallel_loop3A_214 : vector<16xf32> to vector<1x16xf32>
      tpu.vector_store %arg5[%parallel_loop3A_215, %parallel_loop3A_216], %parallel_loop3A_219 {strides = array<i32>} : memref<16x1024xf32, #tpu.memory_space<vmem>>, vector<1x16xf32>,
      scf.yield %parallel_loop3A_201 : i32
    } {sc.loop_unroll_factor = 8 : i64, sc.parallel_access}
    %add3A_76 = arith.constant 16 : i32
    %add3A_77 = arith.addi %mul3A_2, %add3A_76 : i32
    %dma_start3A_78 = arith.constant 0 : i32
    %dma_start3A_79 = tpu.memref_slice %arg3[%add3A_77, %dma_start3A_78] : memref<4096x1024xf32, #tpu.memory_space<hbm>> -> memref<16x1024xf32, #tpu.memory_space<hbm>>
    %dma_start3A_80 = arith.constant 0 : i32
    %dma_start3A_81 = tpu.memref_slice %arg3[%add3A_77, %dma_start3A_80] : memref<4096x1024xf32, #tpu.memory_space<hbm>> -> memref<16x1024xf32, #tpu.memory_space<hbm>>
    tpu.enqueue_dma source(%arg5 : memref<16x1024xf32, #tpu.memory_space<vmem>>) target(%dma_start3A_81 : memref<16x1024xf32, #tpu.memory_space<hbm>>) target_semaphore(%arg19 : memref<!tpu.dma_semaphore, #tpu.memory_space<semaphore_mem>>)
    %dma_wait3A_82 = arith.constant 0 : i32
    %dma_wait3A_83 = tpu.memref_slice %arg2[%add3A_15, %dma_wait3A_82] : memref<8192x1024xf32, #tpu.memory_space<hbm>> -> memref<16x1024xf32, #tpu.memory_space<hbm>>
    %dma_wait3A_84 = arith.constant 0 : i32
    %dma_wait3A_85 = tpu.memref_slice %arg2[%add3A_15, %dma_wait3A_84] : memref<8192x1024xf32, #tpu.memory_space<hbm>> -> memref<16x1024xf32, #tpu.memory_space<hbm>>
    tpu.wait_dma2 semaphore(%arg13 : memref<!tpu.dma_semaphore, #tpu.memory_space<semaphore_mem>>) src(%dma_wait3A_85 : memref<16x1024xf32, #tpu.memory_space<hbm>>) dst(%arg6 : memref<16x1024xf32, #tpu.memory_space<vmem>>)
    %parallel_loop3A_86 = arith.constant 0 : i32
    %parallel_loop3A_87 = arith.constant 1024 : i32
    %parallel_loop3A_88 = arith.constant 1 : i32
    %parallel_loop3A_89 = arith.constant 0 : i32
    %parallel_loop3A_90 = scf.for %parallel_loop3A_200 = %parallel_loop3A_86 to %parallel_loop3A_87 step %parallel_loop3A_88 iter_args(%parallel_loop3A_201 = %parallel_loop3A_89) -> (i32)  : i32 {
      %parallel_loop3A_202 = arith.constant 6 : i32
      %parallel_loop3A_203 = arith.shrsi %parallel_loop3A_200, %parallel_loop3A_202 : i32
      %parallel_loop3A_204 = arith.constant 63 : i32
      %parallel_loop3A_205 = arith.andi %parallel_loop3A_200, %parallel_loop3A_204 : i32
      %parallel_loop3A_206 = arith.constant 16 : i32
      %parallel_loop3A_207 = arith.muli %parallel_loop3A_205, %parallel_loop3A_206 : i32
      %parallel_loop3A_208 = arith.index_cast %parallel_loop3A_203 : i32 to index
      %parallel_loop3A_209 = arith.index_cast %parallel_loop3A_207 : i32 to index
      %parallel_loop3A_210 = tpu.vector_load %arg6[%parallel_loop3A_208, %parallel_loop3A_209] {strides = array<i32>} : memref<16x1024xf32, #tpu.memory_space<vmem>>, vector<1x16xf32>,
      %parallel_loop3A_211 = vector.shape_cast %parallel_loop3A_210 : vector<1x16xf32> to vector<16xf32>
      %parallel_loop3A_212 = arith.constant 3.125000e-02 : f32
      %parallel_loop3A_213 = vector.broadcast %parallel_loop3A_212 : f32 to vector<16xf32>
      %parallel_loop3A_214 = arith.mulf %parallel_loop3A_211, %parallel_loop3A_213 : vector<16xf32>
      %parallel_loop3A_215 = arith.index_cast %parallel_loop3A_203 : i32 to index
      %parallel_loop3A_216 = arith.index_cast %parallel_loop3A_207 : i32 to index
      %parallel_loop3A_217 = tpu.vector_load %arg6[%parallel_loop3A_215, %parallel_loop3A_216] {strides = array<i32>} : memref<16x1024xf32, #tpu.memory_space<vmem>>, vector<1x16xf32>,
      %parallel_loop3A_218 = vector.shape_cast %parallel_loop3A_217 : vector<1x16xf32> to vector<16xf32>
      %parallel_loop3A_219 = vector.shape_cast %parallel_loop3A_214 : vector<16xf32> to vector<1x16xf32>
      tpu.vector_store %arg6[%parallel_loop3A_215, %parallel_loop3A_216], %parallel_loop3A_219 {strides = array<i32>} : memref<16x1024xf32, #tpu.memory_space<vmem>>, vector<1x16xf32>,
      scf.yield %parallel_loop3A_201 : i32
    } {sc.loop_unroll_factor = 8 : i64, sc.parallel_access}
    %add3A_91 = arith.constant 32 : i32
    %add3A_92 = arith.addi %mul3A_2, %add3A_91 : i32
    %dma_start3A_93 = arith.constant 0 : i32
    %dma_start3A_94 = tpu.memref_slice %arg3[%add3A_92, %dma_start3A_93] : memref<4096x1024xf32, #tpu.memory_space<hbm>> -> memref<16x1024xf32, #tpu.memory_space<hbm>>
    %dma_start3A_95 = arith.constant 0 : i32
    %dma_start3A_96 = tpu.memref_slice %arg3[%add3A_92, %dma_start3A_95] : memref<4096x1024xf32, #tpu.memory_space<hbm>> -> memref<16x1024xf32, #tpu.memory_space<hbm>>
    tpu.enqueue_dma source(%arg6 : memref<16x1024xf32, #tpu.memory_space<vmem>>) target(%dma_start3A_96 : memref<16x1024xf32, #tpu.memory_space<hbm>>) target_semaphore(%arg20 : memref<!tpu.dma_semaphore, #tpu.memory_space<semaphore_mem>>)
    %dma_wait3A_97 = arith.constant 0 : i32
    %dma_wait3A_98 = tpu.memref_slice %arg2[%add3A_21, %dma_wait3A_97] : memref<8192x1024xf32, #tpu.memory_space<hbm>> -> memref<16x1024xf32, #tpu.memory_space<hbm>>
    %dma_wait3A_99 = arith.constant 0 : i32
    %dma_wait3A_100 = tpu.memref_slice %arg2[%add3A_21, %dma_wait3A_99] : memref<8192x1024xf32, #tpu.memory_space<hbm>> -> memref<16x1024xf32, #tpu.memory_space<hbm>>
    tpu.wait_dma2 semaphore(%arg14 : memref<!tpu.dma_semaphore, #tpu.memory_space<semaphore_mem>>) src(%dma_wait3A_100 : memref<16x1024xf32, #tpu.memory_space<hbm>>) dst(%arg7 : memref<16x1024xf32, #tpu.memory_space<vmem>>)
    %parallel_loop3A_101 = arith.constant 0 : i32
    %parallel_loop3A_102 = arith.constant 1024 : i32
    %parallel_loop3A_103 = arith.constant 1 : i32
    %parallel_loop3A_104 = arith.constant 0 : i32
    %parallel_loop3A_105 = scf.for %parallel_loop3A_200 = %parallel_loop3A_101 to %parallel_loop3A_102 step %parallel_loop3A_103 iter_args(%parallel_loop3A_201 = %parallel_loop3A_104) -> (i32)  : i32 {
      %parallel_loop3A_202 = arith.constant 6 : i32
      %parallel_loop3A_203 = arith.shrsi %parallel_loop3A_200, %parallel_loop3A_202 : i32
      %parallel_loop3A_204 = arith.constant 63 : i32
      %parallel_loop3A_205 = arith.andi %parallel_loop3A_200, %parallel_loop3A_204 : i32
      %parallel_loop3A_206 = arith.constant 16 : i32
      %parallel_loop3A_207 = arith.muli %parallel_loop3A_205, %parallel_loop3A_206 : i32
      %parallel_loop3A_208 = arith.index_cast %parallel_loop3A_203 : i32 to index
      %parallel_loop3A_209 = arith.index_cast %parallel_loop3A_207 : i32 to index
      %parallel_loop3A_210 = tpu.vector_load %arg7[%parallel_loop3A_208, %parallel_loop3A_209] {strides = array<i32>} : memref<16x1024xf32, #tpu.memory_space<vmem>>, vector<1x16xf32>,
      %parallel_loop3A_211 = vector.shape_cast %parallel_loop3A_210 : vector<1x16xf32> to vector<16xf32>
      %parallel_loop3A_212 = arith.constant 3.125000e-02 : f32
      %parallel_loop3A_213 = vector.broadcast %parallel_loop3A_212 : f32 to vector<16xf32>
      %parallel_loop3A_214 = arith.mulf %parallel_loop3A_211, %parallel_loop3A_213 : vector<16xf32>
      %parallel_loop3A_215 = arith.index_cast %parallel_loop3A_203 : i32 to index
      %parallel_loop3A_216 = arith.index_cast %parallel_loop3A_207 : i32 to index
      %parallel_loop3A_217 = tpu.vector_load %arg7[%parallel_loop3A_215, %parallel_loop3A_216] {strides = array<i32>} : memref<16x1024xf32, #tpu.memory_space<vmem>>, vector<1x16xf32>,
      %parallel_loop3A_218 = vector.shape_cast %parallel_loop3A_217 : vector<1x16xf32> to vector<16xf32>
      %parallel_loop3A_219 = vector.shape_cast %parallel_loop3A_214 : vector<16xf32> to vector<1x16xf32>
      tpu.vector_store %arg7[%parallel_loop3A_215, %parallel_loop3A_216], %parallel_loop3A_219 {strides = array<i32>} : memref<16x1024xf32, #tpu.memory_space<vmem>>, vector<1x16xf32>,
      scf.yield %parallel_loop3A_201 : i32
    } {sc.loop_unroll_factor = 8 : i64, sc.parallel_access}
    %add3A_106 = arith.constant 48 : i32
    %add3A_107 = arith.addi %mul3A_2, %add3A_106 : i32
    %dma_start3A_108 = arith.constant 0 : i32
    %dma_start3A_109 = tpu.memref_slice %arg3[%add3A_107, %dma_start3A_108] : memref<4096x1024xf32, #tpu.memory_space<hbm>> -> memref<16x1024xf32, #tpu.memory_space<hbm>>
    %dma_start3A_110 = arith.constant 0 : i32
    %dma_start3A_111 = tpu.memref_slice %arg3[%add3A_107, %dma_start3A_110] : memref<4096x1024xf32, #tpu.memory_space<hbm>> -> memref<16x1024xf32, #tpu.memory_space<hbm>>
    tpu.enqueue_dma source(%arg7 : memref<16x1024xf32, #tpu.memory_space<vmem>>) target(%dma_start3A_111 : memref<16x1024xf32, #tpu.memory_space<hbm>>) target_semaphore(%arg21 : memref<!tpu.dma_semaphore, #tpu.memory_space<semaphore_mem>>)
    %dma_wait3A_112 = arith.constant 0 : i32
    %dma_wait3A_113 = tpu.memref_slice %arg2[%add3A_27, %dma_wait3A_112] : memref<8192x1024xf32, #tpu.memory_space<hbm>> -> memref<16x1024xf32, #tpu.memory_space<hbm>>
    %dma_wait3A_114 = arith.constant 0 : i32
    %dma_wait3A_115 = tpu.memref_slice %arg2[%add3A_27, %dma_wait3A_114] : memref<8192x1024xf32, #tpu.memory_space<hbm>> -> memref<16x1024xf32, #tpu.memory_space<hbm>>
    tpu.wait_dma2 semaphore(%arg15 : memref<!tpu.dma_semaphore, #tpu.memory_space<semaphore_mem>>) src(%dma_wait3A_115 : memref<16x1024xf32, #tpu.memory_space<hbm>>) dst(%arg8 : memref<16x1024xf32, #tpu.memory_space<vmem>>)
    %parallel_loop3A_116 = arith.constant 0 : i32
    %parallel_loop3A_117 = arith.constant 1024 : i32
    %parallel_loop3A_118 = arith.constant 1 : i32
    %parallel_loop3A_119 = arith.constant 0 : i32
    %parallel_loop3A_120 = scf.for %parallel_loop3A_200 = %parallel_loop3A_116 to %parallel_loop3A_117 step %parallel_loop3A_118 iter_args(%parallel_loop3A_201 = %parallel_loop3A_119) -> (i32)  : i32 {
      %parallel_loop3A_202 = arith.constant 6 : i32
      %parallel_loop3A_203 = arith.shrsi %parallel_loop3A_200, %parallel_loop3A_202 : i32
      %parallel_loop3A_204 = arith.constant 63 : i32
      %parallel_loop3A_205 = arith.andi %parallel_loop3A_200, %parallel_loop3A_204 : i32
      %parallel_loop3A_206 = arith.constant 16 : i32
      %parallel_loop3A_207 = arith.muli %parallel_loop3A_205, %parallel_loop3A_206 : i32
      %parallel_loop3A_208 = arith.index_cast %parallel_loop3A_203 : i32 to index
      %parallel_loop3A_209 = arith.index_cast %parallel_loop3A_207 : i32 to index
      %parallel_loop3A_210 = tpu.vector_load %arg8[%parallel_loop3A_208, %parallel_loop3A_209] {strides = array<i32>} : memref<16x1024xf32, #tpu.memory_space<vmem>>, vector<1x16xf32>,
      %parallel_loop3A_211 = vector.shape_cast %parallel_loop3A_210 : vector<1x16xf32> to vector<16xf32>
      %parallel_loop3A_212 = arith.constant 3.125000e-02 : f32
      %parallel_loop3A_213 = vector.broadcast %parallel_loop3A_212 : f32 to vector<16xf32>
      %parallel_loop3A_214 = arith.mulf %parallel_loop3A_211, %parallel_loop3A_213 : vector<16xf32>
      %parallel_loop3A_215 = arith.index_cast %parallel_loop3A_203 : i32 to index
      %parallel_loop3A_216 = arith.index_cast %parallel_loop3A_207 : i32 to index
      %parallel_loop3A_217 = tpu.vector_load %arg8[%parallel_loop3A_215, %parallel_loop3A_216] {strides = array<i32>} : memref<16x1024xf32, #tpu.memory_space<vmem>>, vector<1x16xf32>,
      %parallel_loop3A_218 = vector.shape_cast %parallel_loop3A_217 : vector<1x16xf32> to vector<16xf32>
      %parallel_loop3A_219 = vector.shape_cast %parallel_loop3A_214 : vector<16xf32> to vector<1x16xf32>
      tpu.vector_store %arg8[%parallel_loop3A_215, %parallel_loop3A_216], %parallel_loop3A_219 {strides = array<i32>} : memref<16x1024xf32, #tpu.memory_space<vmem>>, vector<1x16xf32>,
      scf.yield %parallel_loop3A_201 : i32
    } {sc.loop_unroll_factor = 8 : i64, sc.parallel_access}
    %add3A_121 = arith.constant 64 : i32
    %add3A_122 = arith.addi %mul3A_2, %add3A_121 : i32
    %dma_start3A_123 = arith.constant 0 : i32
    %dma_start3A_124 = tpu.memref_slice %arg3[%add3A_122, %dma_start3A_123] : memref<4096x1024xf32, #tpu.memory_space<hbm>> -> memref<16x1024xf32, #tpu.memory_space<hbm>>
    %dma_start3A_125 = arith.constant 0 : i32
    %dma_start3A_126 = tpu.memref_slice %arg3[%add3A_122, %dma_start3A_125] : memref<4096x1024xf32, #tpu.memory_space<hbm>> -> memref<16x1024xf32, #tpu.memory_space<hbm>>
    tpu.enqueue_dma source(%arg8 : memref<16x1024xf32, #tpu.memory_space<vmem>>) target(%dma_start3A_126 : memref<16x1024xf32, #tpu.memory_space<hbm>>) target_semaphore(%arg22 : memref<!tpu.dma_semaphore, #tpu.memory_space<semaphore_mem>>)
    %dma_wait3A_127 = arith.constant 0 : i32
    %dma_wait3A_128 = tpu.memref_slice %arg2[%add3A_33, %dma_wait3A_127] : memref<8192x1024xf32, #tpu.memory_space<hbm>> -> memref<16x1024xf32, #tpu.memory_space<hbm>>
    %dma_wait3A_129 = arith.constant 0 : i32
    %dma_wait3A_130 = tpu.memref_slice %arg2[%add3A_33, %dma_wait3A_129] : memref<8192x1024xf32, #tpu.memory_space<hbm>> -> memref<16x1024xf32, #tpu.memory_space<hbm>>
    tpu.wait_dma2 semaphore(%arg16 : memref<!tpu.dma_semaphore, #tpu.memory_space<semaphore_mem>>) src(%dma_wait3A_130 : memref<16x1024xf32, #tpu.memory_space<hbm>>) dst(%arg9 : memref<16x1024xf32, #tpu.memory_space<vmem>>)
    %parallel_loop3A_131 = arith.constant 0 : i32
    %parallel_loop3A_132 = arith.constant 1024 : i32
    %parallel_loop3A_133 = arith.constant 1 : i32
    %parallel_loop3A_134 = arith.constant 0 : i32
    %parallel_loop3A_135 = scf.for %parallel_loop3A_200 = %parallel_loop3A_131 to %parallel_loop3A_132 step %parallel_loop3A_133 iter_args(%parallel_loop3A_201 = %parallel_loop3A_134) -> (i32)  : i32 {
      %parallel_loop3A_202 = arith.constant 6 : i32
      %parallel_loop3A_203 = arith.shrsi %parallel_loop3A_200, %parallel_loop3A_202 : i32
      %parallel_loop3A_204 = arith.constant 63 : i32
      %parallel_loop3A_205 = arith.andi %parallel_loop3A_200, %parallel_loop3A_204 : i32
      %parallel_loop3A_206 = arith.constant 16 : i32
      %parallel_loop3A_207 = arith.muli %parallel_loop3A_205, %parallel_loop3A_206 : i32
      %parallel_loop3A_208 = arith.index_cast %parallel_loop3A_203 : i32 to index
      %parallel_loop3A_209 = arith.index_cast %parallel_loop3A_207 : i32 to index
      %parallel_loop3A_210 = tpu.vector_load %arg9[%parallel_loop3A_208, %parallel_loop3A_209] {strides = array<i32>} : memref<16x1024xf32, #tpu.memory_space<vmem>>, vector<1x16xf32>,
      %parallel_loop3A_211 = vector.shape_cast %parallel_loop3A_210 : vector<1x16xf32> to vector<16xf32>
      %parallel_loop3A_212 = arith.constant 3.125000e-02 : f32
      %parallel_loop3A_213 = vector.broadcast %parallel_loop3A_212 : f32 to vector<16xf32>
      %parallel_loop3A_214 = arith.mulf %parallel_loop3A_211, %parallel_loop3A_213 : vector<16xf32>
      %parallel_loop3A_215 = arith.index_cast %parallel_loop3A_203 : i32 to index
      %parallel_loop3A_216 = arith.index_cast %parallel_loop3A_207 : i32 to index
      %parallel_loop3A_217 = tpu.vector_load %arg9[%parallel_loop3A_215, %parallel_loop3A_216] {strides = array<i32>} : memref<16x1024xf32, #tpu.memory_space<vmem>>, vector<1x16xf32>,
      %parallel_loop3A_218 = vector.shape_cast %parallel_loop3A_217 : vector<1x16xf32> to vector<16xf32>
      %parallel_loop3A_219 = vector.shape_cast %parallel_loop3A_214 : vector<16xf32> to vector<1x16xf32>
      tpu.vector_store %arg9[%parallel_loop3A_215, %parallel_loop3A_216], %parallel_loop3A_219 {strides = array<i32>} : memref<16x1024xf32, #tpu.memory_space<vmem>>, vector<1x16xf32>,
      scf.yield %parallel_loop3A_201 : i32
    } {sc.loop_unroll_factor = 8 : i64, sc.parallel_access}
    %add3A_136 = arith.constant 80 : i32
    %add3A_137 = arith.addi %mul3A_2, %add3A_136 : i32
    %dma_start3A_138 = arith.constant 0 : i32
    %dma_start3A_139 = tpu.memref_slice %arg3[%add3A_137, %dma_start3A_138] : memref<4096x1024xf32, #tpu.memory_space<hbm>> -> memref<16x1024xf32, #tpu.memory_space<hbm>>
    %dma_start3A_140 = arith.constant 0 : i32
    %dma_start3A_141 = tpu.memref_slice %arg3[%add3A_137, %dma_start3A_140] : memref<4096x1024xf32, #tpu.memory_space<hbm>> -> memref<16x1024xf32, #tpu.memory_space<hbm>>
    tpu.enqueue_dma source(%arg9 : memref<16x1024xf32, #tpu.memory_space<vmem>>) target(%dma_start3A_141 : memref<16x1024xf32, #tpu.memory_space<hbm>>) target_semaphore(%arg23 : memref<!tpu.dma_semaphore, #tpu.memory_space<semaphore_mem>>)
    %dma_wait3A_142 = arith.constant 0 : i32
    %dma_wait3A_143 = tpu.memref_slice %arg2[%add3A_39, %dma_wait3A_142] : memref<8192x1024xf32, #tpu.memory_space<hbm>> -> memref<16x1024xf32, #tpu.memory_space<hbm>>
    %dma_wait3A_144 = arith.constant 0 : i32
    %dma_wait3A_145 = tpu.memref_slice %arg2[%add3A_39, %dma_wait3A_144] : memref<8192x1024xf32, #tpu.memory_space<hbm>> -> memref<16x1024xf32, #tpu.memory_space<hbm>>
    tpu.wait_dma2 semaphore(%arg17 : memref<!tpu.dma_semaphore, #tpu.memory_space<semaphore_mem>>) src(%dma_wait3A_145 : memref<16x1024xf32, #tpu.memory_space<hbm>>) dst(%arg10 : memref<16x1024xf32, #tpu.memory_space<vmem>>)
    %parallel_loop3A_146 = arith.constant 0 : i32
    %parallel_loop3A_147 = arith.constant 1024 : i32
    %parallel_loop3A_148 = arith.constant 1 : i32
    %parallel_loop3A_149 = arith.constant 0 : i32
    %parallel_loop3A_150 = scf.for %parallel_loop3A_200 = %parallel_loop3A_146 to %parallel_loop3A_147 step %parallel_loop3A_148 iter_args(%parallel_loop3A_201 = %parallel_loop3A_149) -> (i32)  : i32 {
      %parallel_loop3A_202 = arith.constant 6 : i32
      %parallel_loop3A_203 = arith.shrsi %parallel_loop3A_200, %parallel_loop3A_202 : i32
      %parallel_loop3A_204 = arith.constant 63 : i32
      %parallel_loop3A_205 = arith.andi %parallel_loop3A_200, %parallel_loop3A_204 : i32
      %parallel_loop3A_206 = arith.constant 16 : i32
      %parallel_loop3A_207 = arith.muli %parallel_loop3A_205, %parallel_loop3A_206 : i32
      %parallel_loop3A_208 = arith.index_cast %parallel_loop3A_203 : i32 to index
      %parallel_loop3A_209 = arith.index_cast %parallel_loop3A_207 : i32 to index
      %parallel_loop3A_210 = tpu.vector_load %arg10[%parallel_loop3A_208, %parallel_loop3A_209] {strides = array<i32>} : memref<16x1024xf32, #tpu.memory_space<vmem>>, vector<1x16xf32>,
      %parallel_loop3A_211 = vector.shape_cast %parallel_loop3A_210 : vector<1x16xf32> to vector<16xf32>
      %parallel_loop3A_212 = arith.constant 3.125000e-02 : f32
      %parallel_loop3A_213 = vector.broadcast %parallel_loop3A_212 : f32 to vector<16xf32>
      %parallel_loop3A_214 = arith.mulf %parallel_loop3A_211, %parallel_loop3A_213 : vector<16xf32>
      %parallel_loop3A_215 = arith.index_cast %parallel_loop3A_203 : i32 to index
      %parallel_loop3A_216 = arith.index_cast %parallel_loop3A_207 : i32 to index
      %parallel_loop3A_217 = tpu.vector_load %arg10[%parallel_loop3A_215, %parallel_loop3A_216] {strides = array<i32>} : memref<16x1024xf32, #tpu.memory_space<vmem>>, vector<1x16xf32>,
      %parallel_loop3A_218 = vector.shape_cast %parallel_loop3A_217 : vector<1x16xf32> to vector<16xf32>
      %parallel_loop3A_219 = vector.shape_cast %parallel_loop3A_214 : vector<16xf32> to vector<1x16xf32>
      tpu.vector_store %arg10[%parallel_loop3A_215, %parallel_loop3A_216], %parallel_loop3A_219 {strides = array<i32>} : memref<16x1024xf32, #tpu.memory_space<vmem>>, vector<1x16xf32>,
      scf.yield %parallel_loop3A_201 : i32
    } {sc.loop_unroll_factor = 8 : i64, sc.parallel_access}
    %add3A_151 = arith.constant 96 : i32
    %add3A_152 = arith.addi %mul3A_2, %add3A_151 : i32
    %dma_start3A_153 = arith.constant 0 : i32
    %dma_start3A_154 = tpu.memref_slice %arg3[%add3A_152, %dma_start3A_153] : memref<4096x1024xf32, #tpu.memory_space<hbm>> -> memref<16x1024xf32, #tpu.memory_space<hbm>>
    %dma_start3A_155 = arith.constant 0 : i32
    %dma_start3A_156 = tpu.memref_slice %arg3[%add3A_152, %dma_start3A_155] : memref<4096x1024xf32, #tpu.memory_space<hbm>> -> memref<16x1024xf32, #tpu.memory_space<hbm>>
    tpu.enqueue_dma source(%arg10 : memref<16x1024xf32, #tpu.memory_space<vmem>>) target(%dma_start3A_156 : memref<16x1024xf32, #tpu.memory_space<hbm>>) target_semaphore(%arg24 : memref<!tpu.dma_semaphore, #tpu.memory_space<semaphore_mem>>)
    %dma_wait3A_157 = arith.constant 0 : i32
    %dma_wait3A_158 = tpu.memref_slice %arg2[%add3A_62, %dma_wait3A_157] : memref<8192x1024xf32, #tpu.memory_space<hbm>> -> memref<16x1024xf32, #tpu.memory_space<hbm>>
    %dma_wait3A_159 = arith.constant 0 : i32
    %dma_wait3A_160 = tpu.memref_slice %arg2[%add3A_62, %dma_wait3A_159] : memref<8192x1024xf32, #tpu.memory_space<hbm>> -> memref<16x1024xf32, #tpu.memory_space<hbm>>
    tpu.wait_dma2 semaphore(%arg11 : memref<!tpu.dma_semaphore, #tpu.memory_space<semaphore_mem>>) src(%dma_wait3A_160 : memref<16x1024xf32, #tpu.memory_space<hbm>>) dst(%arg4 : memref<16x1024xf32, #tpu.memory_space<vmem>>)
    %parallel_loop3A_161 = arith.constant 0 : i32
    %parallel_loop3A_162 = arith.constant 1024 : i32
    %parallel_loop3A_163 = arith.constant 1 : i32
    %parallel_loop3A_164 = arith.constant 0 : i32
    %parallel_loop3A_165 = scf.for %parallel_loop3A_200 = %parallel_loop3A_161 to %parallel_loop3A_162 step %parallel_loop3A_163 iter_args(%parallel_loop3A_201 = %parallel_loop3A_164) -> (i32)  : i32 {
      %parallel_loop3A_202 = arith.constant 6 : i32
      %parallel_loop3A_203 = arith.shrsi %parallel_loop3A_200, %parallel_loop3A_202 : i32
      %parallel_loop3A_204 = arith.constant 63 : i32
      %parallel_loop3A_205 = arith.andi %parallel_loop3A_200, %parallel_loop3A_204 : i32
      %parallel_loop3A_206 = arith.constant 16 : i32
      %parallel_loop3A_207 = arith.muli %parallel_loop3A_205, %parallel_loop3A_206 : i32
      %parallel_loop3A_208 = arith.index_cast %parallel_loop3A_203 : i32 to index
      %parallel_loop3A_209 = arith.index_cast %parallel_loop3A_207 : i32 to index
      %parallel_loop3A_210 = tpu.vector_load %arg4[%parallel_loop3A_208, %parallel_loop3A_209] {strides = array<i32>} : memref<16x1024xf32, #tpu.memory_space<vmem>>, vector<1x16xf32>,
      %parallel_loop3A_211 = vector.shape_cast %parallel_loop3A_210 : vector<1x16xf32> to vector<16xf32>
      %parallel_loop3A_212 = arith.constant 3.125000e-02 : f32
      %parallel_loop3A_213 = vector.broadcast %parallel_loop3A_212 : f32 to vector<16xf32>
      %parallel_loop3A_214 = arith.mulf %parallel_loop3A_211, %parallel_loop3A_213 : vector<16xf32>
      %parallel_loop3A_215 = arith.index_cast %parallel_loop3A_203 : i32 to index
      %parallel_loop3A_216 = arith.index_cast %parallel_loop3A_207 : i32 to index
      %parallel_loop3A_217 = tpu.vector_load %arg4[%parallel_loop3A_215, %parallel_loop3A_216] {strides = array<i32>} : memref<16x1024xf32, #tpu.memory_space<vmem>>, vector<1x16xf32>,
      %parallel_loop3A_218 = vector.shape_cast %parallel_loop3A_217 : vector<1x16xf32> to vector<16xf32>
      %parallel_loop3A_219 = vector.shape_cast %parallel_loop3A_214 : vector<16xf32> to vector<1x16xf32>
      tpu.vector_store %arg4[%parallel_loop3A_215, %parallel_loop3A_216], %parallel_loop3A_219 {strides = array<i32>} : memref<16x1024xf32, #tpu.memory_space<vmem>>, vector<1x16xf32>,
      scf.yield %parallel_loop3A_201 : i32
    } {sc.loop_unroll_factor = 8 : i64, sc.parallel_access}
    %add3A_166 = arith.constant 112 : i32
    %add3A_167 = arith.addi %mul3A_2, %add3A_166 : i32
    %dma_start3A_168 = arith.constant 0 : i32
    %dma_start3A_169 = tpu.memref_slice %arg3[%add3A_167, %dma_start3A_168] : memref<4096x1024xf32, #tpu.memory_space<hbm>> -> memref<16x1024xf32, #tpu.memory_space<hbm>>
    %dma_start3A_170 = arith.constant 0 : i32
    %dma_start3A_171 = tpu.memref_slice %arg3[%add3A_167, %dma_start3A_170] : memref<4096x1024xf32, #tpu.memory_space<hbm>> -> memref<16x1024xf32, #tpu.memory_space<hbm>>
    tpu.enqueue_dma source(%arg4 : memref<16x1024xf32, #tpu.memory_space<vmem>>) target(%dma_start3A_171 : memref<16x1024xf32, #tpu.memory_space<hbm>>) target_semaphore(%arg18 : memref<!tpu.dma_semaphore, #tpu.memory_space<semaphore_mem>>)
    %dma_wait3A_172 = arith.constant 0 : i32
    %dma_wait3A_173 = tpu.memref_slice %arg3[%add3A_77, %dma_wait3A_172] : memref<4096x1024xf32, #tpu.memory_space<hbm>> -> memref<16x1024xf32, #tpu.memory_space<hbm>>
    %dma_wait3A_174 = arith.constant 0 : i32
    %dma_wait3A_175 = tpu.memref_slice %arg3[%add3A_77, %dma_wait3A_174] : memref<4096x1024xf32, #tpu.memory_space<hbm>> -> memref<16x1024xf32, #tpu.memory_space<hbm>>
    tpu.wait_dma2 semaphore(%arg19 : memref<!tpu.dma_semaphore, #tpu.memory_space<semaphore_mem>>) src(%arg5 : memref<16x1024xf32, #tpu.memory_space<vmem>>) dst(%dma_wait3A_175 : memref<16x1024xf32, #tpu.memory_space<hbm>>)
    %dma_wait3A_176 = arith.constant 0 : i32
    %dma_wait3A_177 = tpu.memref_slice %arg3[%add3A_92, %dma_wait3A_176] : memref<4096x1024xf32, #tpu.memory_space<hbm>> -> memref<16x1024xf32, #tpu.memory_space<hbm>>
    %dma_wait3A_178 = arith.constant 0 : i32
    %dma_wait3A_179 = tpu.memref_slice %arg3[%add3A_92, %dma_wait3A_178] : memref<4096x1024xf32, #tpu.memory_space<hbm>> -> memref<16x1024xf32, #tpu.memory_space<hbm>>
    tpu.wait_dma2 semaphore(%arg20 : memref<!tpu.dma_semaphore, #tpu.memory_space<semaphore_mem>>) src(%arg6 : memref<16x1024xf32, #tpu.memory_space<vmem>>) dst(%dma_wait3A_179 : memref<16x1024xf32, #tpu.memory_space<hbm>>)
    %dma_wait3A_180 = arith.constant 0 : i32
    %dma_wait3A_181 = tpu.memref_slice %arg3[%add3A_107, %dma_wait3A_180] : memref<4096x1024xf32, #tpu.memory_space<hbm>> -> memref<16x1024xf32, #tpu.memory_space<hbm>>
    %dma_wait3A_182 = arith.constant 0 : i32
    %dma_wait3A_183 = tpu.memref_slice %arg3[%add3A_107, %dma_wait3A_182] : memref<4096x1024xf32, #tpu.memory_space<hbm>> -> memref<16x1024xf32, #tpu.memory_space<hbm>>
    tpu.wait_dma2 semaphore(%arg21 : memref<!tpu.dma_semaphore, #tpu.memory_space<semaphore_mem>>) src(%arg7 : memref<16x1024xf32, #tpu.memory_space<vmem>>) dst(%dma_wait3A_183 : memref<16x1024xf32, #tpu.memory_space<hbm>>)
    %dma_wait3A_184 = arith.constant 0 : i32
    %dma_wait3A_185 = tpu.memref_slice %arg3[%add3A_122, %dma_wait3A_184] : memref<4096x1024xf32, #tpu.memory_space<hbm>> -> memref<16x1024xf32, #tpu.memory_space<hbm>>
    %dma_wait3A_186 = arith.constant 0 : i32
    %dma_wait3A_187 = tpu.memref_slice %arg3[%add3A_122, %dma_wait3A_186] : memref<4096x1024xf32, #tpu.memory_space<hbm>> -> memref<16x1024xf32, #tpu.memory_space<hbm>>
    tpu.wait_dma2 semaphore(%arg22 : memref<!tpu.dma_semaphore, #tpu.memory_space<semaphore_mem>>) src(%arg8 : memref<16x1024xf32, #tpu.memory_space<vmem>>) dst(%dma_wait3A_187 : memref<16x1024xf32, #tpu.memory_space<hbm>>)
    %dma_wait3A_188 = arith.constant 0 : i32
    %dma_wait3A_189 = tpu.memref_slice %arg3[%add3A_137, %dma_wait3A_188] : memref<4096x1024xf32, #tpu.memory_space<hbm>> -> memref<16x1024xf32, #tpu.memory_space<hbm>>
    %dma_wait3A_190 = arith.constant 0 : i32
    %dma_wait3A_191 = tpu.memref_slice %arg3[%add3A_137, %dma_wait3A_190] : memref<4096x1024xf32, #tpu.memory_space<hbm>> -> memref<16x1024xf32, #tpu.memory_space<hbm>>
    tpu.wait_dma2 semaphore(%arg23 : memref<!tpu.dma_semaphore, #tpu.memory_space<semaphore_mem>>) src(%arg9 : memref<16x1024xf32, #tpu.memory_space<vmem>>) dst(%dma_wait3A_191 : memref<16x1024xf32, #tpu.memory_space<hbm>>)
    %dma_wait3A_192 = arith.constant 0 : i32
    %dma_wait3A_193 = tpu.memref_slice %arg3[%add3A_152, %dma_wait3A_192] : memref<4096x1024xf32, #tpu.memory_space<hbm>> -> memref<16x1024xf32, #tpu.memory_space<hbm>>
    %dma_wait3A_194 = arith.constant 0 : i32
    %dma_wait3A_195 = tpu.memref_slice %arg3[%add3A_152, %dma_wait3A_194] : memref<4096x1024xf32, #tpu.memory_space<hbm>> -> memref<16x1024xf32, #tpu.memory_space<hbm>>
    tpu.wait_dma2 semaphore(%arg24 : memref<!tpu.dma_semaphore, #tpu.memory_space<semaphore_mem>>) src(%arg10 : memref<16x1024xf32, #tpu.memory_space<vmem>>) dst(%dma_wait3A_195 : memref<16x1024xf32, #tpu.memory_space<hbm>>)
    %dma_wait3A_196 = arith.constant 0 : i32
    %dma_wait3A_197 = tpu.memref_slice %arg3[%add3A_167, %dma_wait3A_196] : memref<4096x1024xf32, #tpu.memory_space<hbm>> -> memref<16x1024xf32, #tpu.memory_space<hbm>>
    %dma_wait3A_198 = arith.constant 0 : i32
    %dma_wait3A_199 = tpu.memref_slice %arg3[%add3A_167, %dma_wait3A_198] : memref<4096x1024xf32, #tpu.memory_space<hbm>> -> memref<16x1024xf32, #tpu.memory_space<hbm>>
    tpu.wait_dma2 semaphore(%arg18 : memref<!tpu.dma_semaphore, #tpu.memory_space<semaphore_mem>>) src(%arg4 : memref<16x1024xf32, #tpu.memory_space<vmem>>) dst(%dma_wait3A_199 : memref<16x1024xf32, #tpu.memory_space<hbm>>)
    return
  }
}

</mosaic_0001>

<sc_bundles>
// kernel: _sc_scale.3.cloned.1.call-start
scs
__scs_entry_jumppad:
0x0: {  	(pc) =	sbr.rel $0x88, $3  }
0x1: {  	(tag) =	ssettag $0x0;
	lr =	simm.s32 $0x1  }
0x2: {  	[smem:$0x3FA0] =	sst lr;
	_ =	strace $0xD0000000  }
0x3: {  	_ = 	snop  }
0x4: {  	_ = 	snop  }
0x5: {  	_ = 	snop  }
0x6: {  	_ = 	snop  }
0x7: {  	_ = 	snop  }
__scs_overlays_trampoline_lowered:
0x8: {  	[smem:$0x3FAF] =	sst s0  }
0x9: {  	[smem:$0x3FB0] =	sst s1  }
0xa: {  	[smem:$0x3FB1] =	sst s2  }
0xb: {  	[smem:$0x3FB2] =	sst s3  }
0xc: {  	[smem:$0x3FB3] =	sst s4  }
0xd: {  	[smem:$0x3FB4] =	sst s5  }
0xe: {  	[smem:$0x3FB5] =	sst s6  }
0xf: {  	[smem:$0x3FB6] =	sst s7  }
0x10: {  	[smem:$0x3FB7] =	sst s8  }
0x11: {  	[smem:$0x3FB8] =	sst s9;
	s0 =	simm.s32 @!p0 $0x0  }
0x12: {  	s1 =	sld [smem:$0x3F9E];
	s0 =	simm.s32 @p0 $0x1  }
0x13: {  	[smem:$0x3FB9] =	sst s0;
	s0 =	simm.s32 @!p1 $0x0  }
0x14: {  	s2 =	sld [smem:$0x3F9D];
	s0 =	simm.s32 @p1 $0x1  }
0x15: {  	[smem:$0x3FBA] =	sst s0;
	s0 =	simm.s32 @!p2 $0x0  }
0x16: {  	s3 =	sld [smem:$0x3FDB];
	s0 =	simm.s32 @p2 $0x1  }
0x17: {  	s4 =	simm.s32 $0x1BF5;
	[smem:$0x3FBC] =	sst s0  }
0x18: {  	s0 =	sld [smem:$0x3F9F];
	_ =	swait.ge [sflag:s4], $0x0  }
0x19: {  	s7 =	sld [smem:$0x3FA0]  }
0x1a: {  	s8 =	sadd.s32 $0xFFFFE003, lr  }
0x1b: {  	s9 =	sadd.s32 $0xFFFFFEF7, lr;
	s5 =	simm.s32 $0xFFFFFFFF;
	p2 =	slt.u32 s8, $0xFFFFF086  }
0x1c: {  	p1 =	slt.u32 s9, $0xF7A;
	s5 =	simm.s32 @!p2 $0x0  }
0x1d: {  	s5 =	simm.s32 @p1 $0x1;
	p0 =	seq.s32 s7, s2  }
0x1e: {  	s7 =	smul.u32 @!p0 $0xF7A, s2;
	p2 =	seq.s32 @!p0 s5, $0x0  }
0x1f: {  	s9 =	smul.u32 $0xF7A, s1;
	s8 =	simm.s32 @!p0 $0x1BF5;
	p2 =	por !p2, p0  }
0x20: {  	[sflag:s8] =	ssyncset.s32 @!p0 $0xFFFFF086;
	s6 =	sadd.s32 @!p0 s3, s7;
	s7 =	simm.s32 @!p0 $0x108  }
0x21: {  	s3 =	sadd.s32 s3, s9;
	s6 =	sadd.s32 @!p0 $0x88, s6;
	s7 =	simm.s32 @p2 $0x1082  }
0x22: {  	[simem:s7], [sflag:s8] =	dma.local @!p0 [hbm:s6], $0xF7A  }
0x23: {  	s9 =	sor.u32 $0xD0000000, s2;
	s6 =	simm.s32 $0x108;
	_ =	swait.ge @!p0 [sflag:s8], $0x0  }
0x24: {  	s3 =	sadd.s32 $0x88, s3;
	s6 =	simm.s32 @!p1 $0x1082;
	[sflag:s4] =	ssyncset.s32 $0xFFFFF086  }
0x25: {  	[simem:s6], [sflag:s4] =	dma.local [hbm:s3], $0xF7A  }
0x26: {  	[smem:$0x3FA0] =	sst s1;
	(tag) =	ssettag s2;
	_ =	strace s9  }
0x27: {  	s1 =	sld [smem:$0x3FB0]  }
0x28: {  	s2 =	sld [smem:$0x3FB1]  }
0x29: {  	s4 =	sld [smem:$0x3FB3]  }
0x2a: {  	p0 =	seq.s32 s5, $0x0;
	s5 =	sld [smem:$0x3FB4]  }
0x2b: {  	s6 =	sld [smem:$0x3FB5]  }
0x2c: {  	s7 =	sld [smem:$0x3FB6]  }
0x2d: {  	s3 =	simm.s32 $0x108;
	s8 =	sld [smem:$0x3FB7]  }
0x2e: {  	s3 =	simm.s32 @!p0 $0x1082;
	s9 =	sld [smem:$0x3FB8]  }
0x2f: {  	lr =	sadd.s32 s0, s3;
	s0 =	sld [smem:$0x3FAF]  }
0x30: {  	s3 =	sld [smem:$0x3FB2]  }
0x31: {  	[smem:$0x3FBB] =	sst s10  }
0x32: {  	s10 =	sld [smem:$0x3FB9];
	_ =	sdelay $0x3  }
0x33: {  	p0 =	seq.s32 s10, $0x1;
	s10 =	sld [smem:$0x3FBB];
	_ =	sdelay $0x3  }
0x34: {  	[smem:$0x3FBB] =	sst s10  }
0x35: {  	s10 =	sld [smem:$0x3FBA];
	_ =	sdelay $0x3  }
0x36: {  	p1 =	seq.s32 s10, $0x1;
	s10 =	sld [smem:$0x3FBB];
	_ =	sdelay $0x3  }
0x37: {  	[smem:$0x3FBB] =	sst s10  }
0x38: {  	s10 =	sld [smem:$0x3FBC]  }
0x39: {  	_ = 	snop;
	(pc) =	sbr.ind lr, $3  }
0x3a: {  	_ = 	snop  }
0x3b: {  	_ = 	snop  }
0x3c: {  	p2 =	seq.s32 s10, $0x1;
	s10 =	sld [smem:$0x3FBB]  }
0x3d: {  	_ =	shalt  }
0x3e: {  	_ =	shalt  }
0x3f: {  	_ =	shalt  }
0x40: {  	_ =	shalt  }
0x41: {  	_ =	shalt  }
0x42: {  	_ =	shalt  }
0x43: {  	_ =	shalt  }
0x44: {  	_ =	shalt  }
0x45: {  	_ =	shalt  }
0x46: {  	_ =	shalt  }
0x47: {  	_ =	shalt  }
0x48: {  	_ =	shalt  }
0x49: {  	_ =	shalt  }
0x4a: {  	_ =	shalt  }
0x4b: {  	_ =	shalt  }
0x4c: {  	_ =	shalt  }
0x4d: {  	_ =	shalt  }
0x4e: {  	_ =	shalt  }
0x4f: {  	_ =	shalt  }
0x50: {  	_ =	shalt  }
0x51: {  	_ =	shalt  }
0x52: {  	_ =	shalt  }
0x53: {  	_ =	shalt  }
0x54: {  	_ =	shalt  }
0x55: {  	_ =	shalt  }
0x56: {  	_ =	shalt  }
0x57: {  	_ =	shalt  }
0x58: {  	_ =	shalt  }
0x59: {  	_ =	shalt  }
0x5a: {  	_ =	shalt  }
0x5b: {  	_ =	shalt  }
0x5c: {  	_ =	shalt  }
0x5d: {  	_ =	shalt  }
0x5e: {  	_ =	shalt  }
0x5f: {  	_ =	shalt  }
0x60: {  	_ =	shalt  }
0x61: {  	_ =	shalt  }
0x62: {  	_ =	shalt  }
0x63: {  	_ =	shalt  }
0x64: {  	_ =	shalt  }
0x65: {  	_ =	shalt  }
0x66: {  	_ =	shalt  }
0x67: {  	_ =	shalt  }
0x68: {  	_ =	shalt  }
0x69: {  	_ =	shalt  }
0x6a: {  	_ =	shalt  }
0x6b: {  	_ =	shalt  }
0x6c: {  	_ =	shalt  }
0x6d: {  	_ =	shalt  }
0x6e: {  	_ =	shalt  }
0x6f: {  	_ =	shalt  }
0x70: {  	_ =	shalt  }
0x71: {  	_ =	shalt  }
0x72: {  	_ =	shalt  }
0x73: {  	_ =	shalt  }
0x74: {  	_ =	shalt  }
0x75: {  	_ =	shalt  }
0x76: {  	_ =	shalt  }
0x77: {  	_ =	shalt  }
0x78: {  	_ =	shalt  }
0x79: {  	_ =	shalt  }
0x7a: {  	_ =	shalt  }
0x7b: {  	_ =	shalt  }
0x7c: {  	_ =	shalt  }
0x7d: {  	_ =	shalt  }
0x7e: {  	_ =	shalt  }
0x7f: {  	_ =	shalt  }
0x80: {  	_ =	shalt  }
0x81: {  	_ =	shalt  }
0x82: {  	_ =	shalt  }
0x83: {  	_ =	shalt  }
0x84: {  	_ =	shalt  }
0x85: {  	_ =	shalt  }
0x86: {  	_ =	shalt  }
0x87: {  	_ =	shalt  }
.Lfunc_end0:
.L_simem_size_0:
called_computation_lowered:
.L_overlay_start_0:
0x88: {  	s2 =	sld [smem:$0x3FD9]  }
0x89: {  	s3 =	sld [smem:$0x3FFE];
	_ =	sdelay $0x1  }
0x8a: {  	s1 =	srdreg.scid  }
0x8b: {  	s0 =	sand.u32 $0x1, s1  }
0x8c: {  	s18 =	sshll.u32 s0, $0xA;
	s2 =	sadd.s32 s3, s2  }
0x8d: {  	s2 =	sadd.s32 s2, s18  }
0x8e: {  	[smem:$0x3FC7] =	sst s2  }
0x8f: {  	_ = 	snop  }
0x90: {  	s2 =	sld [smem:$0x3FC9]  }
0x91: {  	s19 =	sld [smem:$0x3FD0];
	(tm) =	ssettm $0x1  }
0x92: {  	s4 =	sld [smem:$0x3FFB];
	_ =	sdelay $0x3  }
0x93: {  	_ =	strace s4  }
0x94: {  	s4 =	sld [smem:$0x3FFC];
	_ =	sdelay $0x3  }
0x95: {  	_ =	strace s4  }
0x96: {  	s4 =	sld [smem:$0x3FFD];
	_ =	sdelay $0x3  }
0x97: {  	_ =	strace s4  }
0x98: {  	_ =	strace $0x8FFFFFFF  }
0x99: {  	s20 =	sld [smem:$0x3FDB];
	_ =	sdelay $0x1  }
0x9a: {  	s5 =	simm.s32 $_scs_section_size  }
0x9b: {  	s6 =	simm.s32 $_size__tile_overlayer_lowered;
	s7 =	simm.s32 $_tile_overlayer_lowered  }
0x9c: {  	s23 =	simm.s32 $0x1BFF;
	s22 =	sshll.u32 s7, $0x1;
	s4 =	sadd.s32 s5, s20  }
0x9d: {  	s8 =	simm.s32 $0x0;
	s21 =	sshll.u32 s6, $0x1;
	s6 =	sadd.s32 s22, s4  }
0x9e: {  	[timem:s8], [sflag:s23] =	dma.local [hbm:s6], s21  }
0x9f: {  	_ =	swait.ge [sflag:s23], s21  }
0xa0: {  	s5 =	ssub.s32 $0x0, s21;
	[sflag:s23] =	ssyncset.done $0x0  }
0xa1: {  	[sflag:s23] =	ssyncadd.s32 s5;
	_ =	sdelay $0x1  }
0xa2: {  	s24 =	simm.s32 $0x1B8B  }
0xa3: {  	_ =	swait.ge [sflag:s24], $0x1  }
0xa4: {  	[sflag:s24] =	ssyncset.done $0x0  }
0xa5: {  	s25 =	simm.s32 $0x1B8E;
	[sflag:s24] =	ssyncadd.s32 $0xFFFFFFFF  }
0xa6: {  	s26 =	simm.s32 $execute0_lowered;
	[smem:$0x3FD2] =	sst s25  }
0xa7: {  	s5 =	sshll.u32 s26, $0x1;
	_ =	strace $0x80000046;
	[dreg:$0x1] =	wrdreg $0xFFFFFFFF  }
0xa8: {  	s28 =	simm.s32 $_size_execute0_lowered;
	s4 =	sadd.s32 s4, s5;
	[dreg:$0x0] =	wrdreg $0x0  }
0xa9: {  	s5 =	sshll.u32 s28, $0x1;
	[dreg:$0x2] =	wrdreg s4  }
0xaa: {  	[dreg:$0x3] =	wrdreg s5  }
0xab: {  	[dreg:$0x4] =	wrdreg $0xC0  }
0xac: {  	_ =	task [dreg:s8], $0x5FFFF  }
0xad: {  	[dreg:$0x1] =	wrdreg $0xFFFFFFFF  }
0xae: {  	[dreg:$0x0] =	wrdreg $0x60  }
0xaf: {  	[dreg:$0x2] =	wrdreg s2  }
0xb0: {  	[dreg:$0x3] =	wrdreg s19  }
0xb1: {  	[dreg:$0x4] =	wrdreg $0x9  }
0xb2: {  	_ =	task.clear_ibuf [dreg:s8], $0x5FFFF;
	_ =	strace $0x90000046  }
0xb3: {  	s29 =	simm.s32 $0x9;
	_ =	strace $0x80000048  }
0xb4: {  	_ =	swait.ge [sflag:s29], $0x1  }
0xb5: {  	[sflag:s29] =	ssyncadd.s32 $0xFFFFFFFF  }
0xb6: {  	_ =	strace $0x90000048  }
0xb7: {  	_ =	sfence  }
0xb8: {  	s30 =	sld [smem:$0x0];
	_ =	sdelay $0x2  }
0xb9: {  	s31 =	sshll.u32 s1, $0xD;
	s1 =	sshrl.u32 s1, $0x2  }
0xba: {  	s3 =	sand.u32 $0x4000, s31;
	s1 =	sadd.s32 s1, s30  }
0xbb: {  	s0 =	sor.u32 s3, s0;
	s1 =	sshll.u32 s1, $0x11  }
0xbc: {  	s0 =	sor.u32 s1, s0  }
0xbd: {  	s0 =	sadd.s32 $0x8F2B, s0  }
0xbe: {  	[sflag:s0] =	ssyncadd.remote.s32 $0x1  }
0xbf: {  	_ =	sfence.sel $0xFFFF  }
0xc0: {  	[dreg:$0x0] =	wrdreg $0xFFFFFFFF;
	(pc) =	sbr.abs _section_cstart, $3  }
0xc1: {  	[dreg:$0x1] =	wrdreg $0xFFFFFFFF  }
0xc2: {  	_ =	task.clear_ibuf [dreg:s8], $0x2FFFF;
	_ =	strace $0x9FFFFFFF  }
0xc3: {  	(tm) =	ssettm $0x7FFFFFFF  }
tec
execute0_lowered:
.L_overlay_start_1:
0x0: {  	(tag) =	ssettag $0x1  }
0x1: {  	s0 =	rddreg [dreg:$0x0]  }
0x2: {  	s1 =	rddreg [dreg:$0x1]  }
0x3: {  	s3 =	srdreg.scid;
	s2 =	simm.s32 $0x0;
	s6 =	stileid.u32  }
0x4: {  	s28 =	simm.s32 $0x8;
	s29 =	simm.s32 $0x2;
	s30 =	simm.s32 $0x3  }
0x5: {  	s31 =	simm.s32 $0x4;
	s3 =	sand.u32 $0x1, s3;
	[smem:$0x7FF] =	sst s2  }
0x6: {  	s6 =	sshll.u32 s6, $0xF;
	s4 =	ssub.s32 $0x2, s3;
	s3 =	sshll.u32 s3, $0xE  }
0x7: {  	_ =	strace $0x80000047;
	s5 =	sshrl.u32 s4, $0x1;
	s3 =	sor.u32 s3, s6  }
0x8: {  	s4 =	ssub.s32 s4, s5;
	s19 =	sadd.s32 s0, s3;
	s20 =	sor.u32 $0x800, s3  }
0x9: {  	s6 =	sor.u32 $0x1000, s3;
	s22 =	sor.u32 $0x1800, s3;
	s23 =	sor.u32 $0x2000, s3  }
0xa: {  	s9 =	sor.u32 $0x2800, s3;
	s17 =	sor.u32 $0x3000, s3;
	s26 =	sadd.s32 s1, s3  }
0xb: {  	s3 =	sor.u32 $0x3800, s3;
	s5 =	simm.s32 $0xA;
	[dreg:$0x3] =	wrdreg s19  }
0xc: {  	s7 =	sadd.s32 s0, s20;
	s21 =	sadd.s32 s0, s6;
	s8 =	sadd.s32 s0, s22  }
0xd: {  	s10 =	sadd.s32 s0, s23;
	s24 =	sadd.s32 s0, s9;
	s25 =	sadd.s32 s0, s17  }
0xe: {  	[dreg:$0xa] =	wrdreg s26;
	s0 =	sadd.s32 s0, s3;
	s12 =	sadd.s32 s1, s20  }
0xf: {  	s13 =	sadd.s32 s1, s6;
	s14 =	sadd.s32 s1, s22;
	[dreg:$0x4] =	wrdreg s7  }
0x10: {  	s15 =	sadd.s32 s1, s23;
	s16 =	sadd.s32 s1, s9;
	[dreg:$0x5] =	wrdreg s21  }
0x11: {  	s17 =	sadd.s32 s1, s17;
	s18 =	sadd.s32 s1, s3;
	[dreg:$0x6] =	wrdreg s8  }
0x12: {  	s19 =	smax.u32 s4, $0x1;
	s26 =	simm.s32 $0x1;
	[dreg:$0x7] =	wrdreg s10  }
0x13: {  	s1 =	simm.s32 $0x6;
	s3 =	simm.s32 $0x7;
	[dreg:$0x8] =	wrdreg s24  }
0x14: {  	s4 =	simm.s32 $0x9;
	s6 =	simm.s32 $0xB;
	[dreg:$0x9] =	wrdreg s25  }
0x15: {  	s20 =	simm.s32 $0xC;
	[dreg:$0xb] =	wrdreg s0;
	s0 =	simm.s32 $0x5  }
0x16: {  	s7 =	simm.s32 $0xD;
	s21 =	simm.s32 $0xE;
	s8 =	simm.s32 $0x0  }
.LBB2_1:
0x17: {  	s9 =	rddreg [dreg:$0x3]  }
0x18: {  	[tilespmem:s2], [sflag:$0x1] =	stream.linear.gather [hbm4b:s9+s2], $0x4000, $0x38;
	[tilespmem:$0x1C000] =	vst v63  }
0x19: {  	s23 =	rddreg [dreg:$0x4];
	s10 =	simm.s32 $0x4000  }
0x1a: {  	[tilespmem:s10], [sflag:$0x2] =	stream.linear.gather [hbm4b:s23+s2], $0x4000, $0x38;
	[tilespmem:$0x1C000] =	vst v63  }
0x1b: {  	s24 =	rddreg [dreg:$0x5];
	s25 =	simm.s32 $0x8000  }
0x1c: {  	[tilespmem:s25], [sflag:$0x3] =	stream.linear.gather [hbm4b:s24+s2], $0x4000, $0x38;
	[tilespmem:$0x1C000] =	vst v63  }
0x1d: {  	s11 =	simm.s32 $0xC000;
	s10 =	rddreg [dreg:$0x6]  }
0x1e: {  	[tilespmem:s11], [sflag:$0x4] =	stream.linear.gather [hbm4b:s10+s2], $0x4000, $0x38;
	[tilespmem:$0x1C000] =	vst v63  }
0x1f: {  	s22 =	rddreg [dreg:$0x7];
	s23 =	simm.s32 $0x10000  }
0x20: {  	[tilespmem:s23], [sflag:$0x5] =	stream.linear.gather [hbm4b:s22+s2], $0x4000, $0x38;
	[tilespmem:$0x1C000] =	vst v63  }
0x21: {  	s24 =	rddreg [dreg:$0x8];
	s25 =	simm.s32 $0x14000;
	s23 =	simm.s32 $0x0  }
0x22: {  	[tilespmem:s25], [sflag:$0x6] =	stream.linear.gather [hbm4b:s24+s2], $0x4000, $0x38;
	[tilespmem:$0x1C000] =	vst v63  }
0x23: {  	s11 =	rddreg [dreg:$0x9];
	s22 =	simm.s32 $0x18000;
	s9 =	sand.u32 $0x2000, s23  }
0x24: {  	[tilespmem:s22], [sflag:$0x7] =	stream.linear.gather [hbm4b:s11+s2], $0x4000, $0x38;
	[tilespmem:$0x1C000] =	vst v63  }
0x25: {  	s23 =	simm.s32 $0x0;
	s22 =	sand.u32 $0x1C00, s2;
	_ =	swait.ge [sflag:s26], $0x4000  }
0x26: {  	s23 =	sand.u32 $0x380, s23;
	s9 =	sor.u32 s22, s9;
	[sflag:s26] =	ssyncset.done $0x0  }
0x27: {  	s23 =	sor.u32 s23, s9;
	[sflag:s26] =	ssyncadd.s32 $0xFFFFC000  }
0x28: {  	v0 =	vld [tilespmem:s23+$0x70]  }
0x29: {  	v1 =	vld [tilespmem:s23+$0x0]  }
0x2a: {  	v2 =	vld [tilespmem:s23+$0x10]  }
0x2b: {  	v3 =	vld [tilespmem:s23+$0x20]  }
0x2c: {  	s24 =	simm.s32 $0x80;
	s9 =	simm.s32 $0x400;
	v5 =	vld [tilespmem:s23+$0x30]  }
0x2d: {  	s25 =	simm.s32 $0x10;
	s22 =	sand.u32 $0x2000, s24;
	s24 =	sand.u32 $0x1C00, s9;
	v7 =	vld [tilespmem:s23+$0x40];
	v0 =	vmul.f32 $3.125000000e-02, v0  }
0x2e: {  	s10 =	sand.u32 $0x380, s25;
	s22 =	sor.u32 s24, s22;
	v4 =	vld [tilespmem:s23+$0x50];
	v1 =	vmul.f32 $3.125000000e-02, v1  }
0x2f: {  	s22 =	sor.u32 s10, s22;
	v6 =	vmul.f32 $3.125000000e-02, v2;
	v2 =	vld [tilespmem:s23+$0x60];
	[tilespmem:s23+$0x70] =	vst v0  }
0x30: {  	v8 =	vmul.f32 $3.125000000e-02, v3;
	v0 =	vld [tilespmem:s22+$0x70];
	[tilespmem:s23+$0x0] =	vst v1  }
0x31: {  	v1 =	vld [tilespmem:s22+$0x0];
	[tilespmem:s23+$0x10] =	vst v6;
	v6 =	vmul.f32 $3.125000000e-02, v5  }
0x32: {  	s24 =	simm.s32 $0x8;
	v3 =	vld [tilespmem:s22+$0x10];
	[tilespmem:s23+$0x20] =	vst v8;
	v5 =	vmul.f32 $3.125000000e-02, v7  }
.LBB2_2:
0x33: {  	s24 =	sadd.s32 $0x8, s24;
	v7 =	vld [tilespmem:s22+$0x20];
	[tilespmem:s23+$0x30] =	vst v6;
	v4 =	vmul.f32 $3.125000000e-02, v4  }
0x34: {  	s9 =	sadd.s32 $0x400, s9;
	s10 =	sshll.u32 s24, $0x4;
	p0 =	slt.u32 s24, $0x3F8;
	v6 =	vld [tilespmem:s22+$0x30];
	[tilespmem:s23+$0x40] =	vst v5;
	v2 =	vmul.f32 $3.125000000e-02, v2  }
0x35: {  	s25 =	sand.u32 $0x1C00, s9;
	s11 =	sshll.u32 s24, $0x1;
	s10 =	sand.u32 $0x2000, s10;
	v5 =	vld [tilespmem:s22+$0x40];
	v0 =	vmul.f32 $3.125000000e-02, v0;
	[tilespmem:s23+$0x50] =	vst v4  }
.Ltmp0:
0x36: {  	s11 =	sand.u32 $0x380, s11;
	s10 =	sor.u32 s25, s10;
	v1 =	vmul.f32 $3.125000000e-02, v1;
	v4 =	vld [tilespmem:s22+$0x50];
	[tilespmem:s23+$0x60] =	vst v2;
	(pc) =	sbr.rel @p0 .LBB2_2-.Ltmp0, $4  }
0x37: {  	s23 =	smov.u32 s22;
	v3 =	vmul.f32 $3.125000000e-02, v3;
	v2 =	vld [tilespmem:s22+$0x60];
	[tilespmem:s22+$0x70] =	vst v0;
	s22 =	sor.u32 s11, s10  }
0x38: {  	v0 =	vld [tilespmem:s22+$0x70];
	[tilespmem:s23+$0x0] =	vst v1;
	v7 =	vmul.f32 $3.125000000e-02, v7  }
0x39: {  	v1 =	vld [tilespmem:s22+$0x0];
	[tilespmem:s23+$0x10] =	vst v3;
	v6 =	vmul.f32 $3.125000000e-02, v6  }
0x3a: {  	v3 =	vld [tilespmem:s22+$0x10];
	[tilespmem:s23+$0x20] =	vst v7;
	v5 =	vmul.f32 $3.125000000e-02, v5  }
0x3b: {  	v7 =	vld [tilespmem:s22+$0x20];
	[tilespmem:s23+$0x30] =	vst v6;
	v4 =	vmul.f32 $3.125000000e-02, v4  }
0x3c: {  	v6 =	vld [tilespmem:s22+$0x30];
	[tilespmem:s23+$0x40] =	vst v5;
	v2 =	vmul.f32 $3.125000000e-02, v2  }
0x3d: {  	v5 =	vld [tilespmem:s22+$0x40];
	v0 =	vmul.f32 $3.125000000e-02, v0;
	[tilespmem:s23+$0x50] =	vst v4  }
0x3e: {  	v4 =	vld [tilespmem:s22+$0x50];
	v1 =	vmul.f32 $3.125000000e-02, v1;
	[tilespmem:s23+$0x60] =	vst v2  }
0x3f: {  	v2 =	vmul.f32 $3.125000000e-02, v3;
	v3 =	vld [tilespmem:s22+$0x60];
	[tilespmem:s22+$0x70] =	vst v0  }
0x40: {  	[tilespmem:s22+$0x0] =	vst v1;
	v0 =	vmul.f32 $3.125000000e-02, v7  }
0x41: {  	v1 =	vmul.f32 $3.125000000e-02, v6;
	[tilespmem:s22+$0x10] =	vst v2  }
0x42: {  	[tilespmem:s22+$0x20] =	vst v0;
	v0 =	vmul.f32 $3.125000000e-02, v5  }
0x43: {  	[tilespmem:s22+$0x30] =	vst v1;
	v1 =	vmul.f32 $3.125000000e-02, v4  }
0x44: {  	[tilespmem:s22+$0x40] =	vst v0;
	v0 =	vmul.f32 $3.125000000e-02, v3  }
0x45: {  	[tilespmem:s22+$0x50] =	vst v1  }
0x46: {  	[tilespmem:s22+$0x60] =	vst v0  }
0x47: {  	s9 =	simm.s32 $0x0;
	s10 =	rddreg [dreg:$0xa]  }
0x48: {  	[hbm4b:s10+s9] =	stream.linear.scatter [tilespmem:s9], [sflag:$0x8], $0x4000, $0x38;
	[tilespmem:$0x1C000] =	vst v63  }
0x49: {  	_ =	swait.ge [sflag:s28], $0x4000  }
0x4a: {  	s11 =	simm.s32 $0x0;
	[sflag:s28] =	ssyncset.done $0x0  }
0x4b: {  	s10 =	sand.u32 $0x2000, s11;
	s25 =	rddreg [dreg:$0xb];
	[sflag:s28] =	ssyncadd.s32 $0xFFFFC000  }
0x4c: {  	[tilespmem:s9], [sflag:$0x1] =	stream.linear.gather [hbm4b:s25+s9], $0x4000, $0x38;
	[tilespmem:$0x1C000] =	vst v63  }
0x4d: {  	s11 =	simm.s32 $0x0;
	s9 =	sand.u32 $0x1C00, s9;
	_ =	swait.ge [sflag:s29], $0x4000  }
0x4e: {  	s11 =	sand.u32 $0x380, s11;
	s9 =	sor.u32 s9, s10;
	[sflag:s29] =	ssyncset.done $0x0  }
0x4f: {  	s23 =	sor.u32 s11, s9;
	[sflag:s29] =	ssyncadd.s32 $0xFFFFC000  }
0x50: {  	v0 =	vld [tilespmem:s23+$0x4070]  }
0x51: {  	v1 =	vld [tilespmem:s23+$0x4000]  }
0x52: {  	v2 =	vld [tilespmem:s23+$0x4010]  }
0x53: {  	v3 =	vld [tilespmem:s23+$0x4020]  }
0x54: {  	s22 =	simm.s32 $0x80;
	s9 =	simm.s32 $0x400;
	v5 =	vld [tilespmem:s23+$0x4030]  }
0x55: {  	s25 =	simm.s32 $0x10;
	s10 =	sand.u32 $0x2000, s22;
	s24 =	sand.u32 $0x1C00, s9;
	v7 =	vld [tilespmem:s23+$0x4040];
	v0 =	vmul.f32 $3.125000000e-02, v0  }
0x56: {  	s22 =	sand.u32 $0x380, s25;
	s10 =	sor.u32 s24, s10;
	v4 =	vld [tilespmem:s23+$0x4050];
	v1 =	vmul.f32 $3.125000000e-02, v1  }
0x57: {  	s22 =	sor.u32 s22, s10;
	v6 =	vmul.f32 $3.125000000e-02, v2;
	v2 =	vld [tilespmem:s23+$0x4060];
	[tilespmem:s23+$0x4070] =	vst v0  }
0x58: {  	v8 =	vmul.f32 $3.125000000e-02, v3;
	v0 =	vld [tilespmem:s22+$0x4070];
	[tilespmem:s23+$0x4000] =	vst v1  }
0x59: {  	v1 =	vld [tilespmem:s22+$0x4000];
	[tilespmem:s23+$0x4010] =	vst v6;
	v6 =	vmul.f32 $3.125000000e-02, v5  }
0x5a: {  	s24 =	simm.s32 $0x8;
	v3 =	vld [tilespmem:s22+$0x4010];
	[tilespmem:s23+$0x4020] =	vst v8;
	v5 =	vmul.f32 $3.125000000e-02, v7  }
.LBB2_4:
0x5b: {  	s24 =	sadd.s32 $0x8, s24;
	v7 =	vld [tilespmem:s22+$0x4020];
	[tilespmem:s23+$0x4030] =	vst v6;
	v4 =	vmul.f32 $3.125000000e-02, v4  }
0x5c: {  	s9 =	sadd.s32 $0x400, s9;
	s10 =	sshll.u32 s24, $0x4;
	p0 =	slt.u32 s24, $0x3F8;
	v6 =	vld [tilespmem:s22+$0x4030];
	[tilespmem:s23+$0x4040] =	vst v5;
	v2 =	vmul.f32 $3.125000000e-02, v2  }
0x5d: {  	s11 =	sand.u32 $0x1C00, s9;
	s25 =	sshll.u32 s24, $0x1;
	s10 =	sand.u32 $0x2000, s10;
	v5 =	vld [tilespmem:s22+$0x4040];
	v0 =	vmul.f32 $3.125000000e-02, v0;
	[tilespmem:s23+$0x4050] =	vst v4  }
.Ltmp1:
0x5e: {  	s25 =	sand.u32 $0x380, s25;
	s10 =	sor.u32 s11, s10;
	v1 =	vmul.f32 $3.125000000e-02, v1;
	v4 =	vld [tilespmem:s22+$0x4050];
	[tilespmem:s23+$0x4060] =	vst v2;
	(pc) =	sbr.rel @p0 .LBB2_4-.Ltmp1, $4  }
0x5f: {  	s23 =	smov.u32 s22;
	v3 =	vmul.f32 $3.125000000e-02, v3;
	v2 =	vld [tilespmem:s22+$0x4060];
	[tilespmem:s22+$0x4070] =	vst v0;
	s22 =	sor.u32 s25, s10  }
0x60: {  	v0 =	vld [tilespmem:s22+$0x4070];
	[tilespmem:s23+$0x4000] =	vst v1;
	v7 =	vmul.f32 $3.125000000e-02, v7  }
0x61: {  	v1 =	vld [tilespmem:s22+$0x4000];
	[tilespmem:s23+$0x4010] =	vst v3;
	v6 =	vmul.f32 $3.125000000e-02, v6  }
0x62: {  	v3 =	vld [tilespmem:s22+$0x4010];
	[tilespmem:s23+$0x4020] =	vst v7;
	v5 =	vmul.f32 $3.125000000e-02, v5  }
0x63: {  	v7 =	vld [tilespmem:s22+$0x4020];
	[tilespmem:s23+$0x4030] =	vst v6;
	v4 =	vmul.f32 $3.125000000e-02, v4  }
0x64: {  	v6 =	vld [tilespmem:s22+$0x4030];
	[tilespmem:s23+$0x4040] =	vst v5;
	v2 =	vmul.f32 $3.125000000e-02, v2  }
0x65: {  	v5 =	vld [tilespmem:s22+$0x4040];
	v0 =	vmul.f32 $3.125000000e-02, v0;
	[tilespmem:s23+$0x4050] =	vst v4  }
0x66: {  	v4 =	vld [tilespmem:s22+$0x4050];
	v1 =	vmul.f32 $3.125000000e-02, v1;
	[tilespmem:s23+$0x4060] =	vst v2  }
0x67: {  	v2 =	vmul.f32 $3.125000000e-02, v3;
	v3 =	vld [tilespmem:s22+$0x4060];
	[tilespmem:s22+$0x4070] =	vst v0  }
0x68: {  	[tilespmem:s22+$0x4000] =	vst v1;
	v0 =	vmul.f32 $3.125000000e-02, v7  }
0x69: {  	v1 =	vmul.f32 $3.125000000e-02, v6;
	[tilespmem:s22+$0x4010] =	vst v2  }
0x6a: {  	[tilespmem:s22+$0x4020] =	vst v0;
	v0 =	vmul.f32 $3.125000000e-02, v5  }
0x6b: {  	[tilespmem:s22+$0x4030] =	vst v1;
	v1 =	vmul.f32 $3.125000000e-02, v4  }
0x6c: {  	[tilespmem:s22+$0x4040] =	vst v0;
	v0 =	vmul.f32 $3.125000000e-02, v3  }
0x6d: {  	[tilespmem:s22+$0x4050] =	vst v1  }
0x6e: {  	s9 =	simm.s32 $0x0;
	s10 =	simm.s32 $0x4000;
	s11 =	simm.s32 $0x0;
	[tilespmem:s22+$0x4060] =	vst v0  }
0x6f: {  	[hbm4b:s12+s9] =	stream.linear.scatter [tilespmem:s10], [sflag:$0x9], $0x4000, $0x38;
	[tilespmem:$0x1C000] =	vst v63  }
0x70: {  	s10 =	sand.u32 $0x2000, s11  }
0x71: {  	s9 =	sand.u32 $0x1C00, s9;
	s11 =	simm.s32 $0x0;
	_ =	swait.ge [sflag:s30], $0x4000  }
0x72: {  	s11 =	sand.u32 $0x380, s11;
	s9 =	sor.u32 s9, s10;
	[sflag:s30] =	ssyncset.done $0x0  }
0x73: {  	s23 =	sor.u32 s11, s9;
	[sflag:s30] =	ssyncadd.s32 $0xFFFFC000  }
0x74: {  	v0 =	vld [tilespmem:s23+$0x8070]  }
0x75: {  	v1 =	vld [tilespmem:s23+$0x8000]  }
0x76: {  	v2 =	vld [tilespmem:s23+$0x8010]  }
0x77: {  	v3 =	vld [tilespmem:s23+$0x8020]  }
0x78: {  	s22 =	simm.s32 $0x80;
	s9 =	simm.s32 $0x400;
	v5 =	vld [tilespmem:s23+$0x8030]  }
0x79: {  	s25 =	simm.s32 $0x10;
	s10 =	sand.u32 $0x2000, s22;
	s24 =	sand.u32 $0x1C00, s9;
	v7 =	vld [tilespmem:s23+$0x8040];
	v0 =	vmul.f32 $3.125000000e-02, v0  }
0x7a: {  	s22 =	sand.u32 $0x380, s25;
	s10 =	sor.u32 s24, s10;
	v4 =	vld [tilespmem:s23+$0x8050];
	v1 =	vmul.f32 $3.125000000e-02, v1  }
0x7b: {  	s22 =	sor.u32 s22, s10;
	v6 =	vmul.f32 $3.125000000e-02, v2;
	v2 =	vld [tilespmem:s23+$0x8060];
	[tilespmem:s23+$0x8070] =	vst v0  }
0x7c: {  	v8 =	vmul.f32 $3.125000000e-02, v3;
	v0 =	vld [tilespmem:s22+$0x8070];
	[tilespmem:s23+$0x8000] =	vst v1  }
0x7d: {  	v1 =	vld [tilespmem:s22+$0x8000];
	[tilespmem:s23+$0x8010] =	vst v6;
	v6 =	vmul.f32 $3.125000000e-02, v5  }
0x7e: {  	s24 =	simm.s32 $0x8;
	v3 =	vld [tilespmem:s22+$0x8010];
	[tilespmem:s23+$0x8020] =	vst v8;
	v5 =	vmul.f32 $3.125000000e-02, v7  }
.LBB2_6:
0x7f: {  	s24 =	sadd.s32 $0x8, s24;
	v7 =	vld [tilespmem:s22+$0x8020];
	[tilespmem:s23+$0x8030] =	vst v6;
	v4 =	vmul.f32 $3.125000000e-02, v4  }
0x80: {  	s9 =	sadd.s32 $0x400, s9;
	s10 =	sshll.u32 s24, $0x4;
	p0 =	slt.u32 s24, $0x3F8;
	v6 =	vld [tilespmem:s22+$0x8030];
	[tilespmem:s23+$0x8040] =	vst v5;
	v2 =	vmul.f32 $3.125000000e-02, v2  }
0x81: {  	s11 =	sand.u32 $0x1C00, s9;
	s25 =	sshll.u32 s24, $0x1;
	s10 =	sand.u32 $0x2000, s10;
	v5 =	vld [tilespmem:s22+$0x8040];
	v0 =	vmul.f32 $3.125000000e-02, v0;
	[tilespmem:s23+$0x8050] =	vst v4  }
.Ltmp2:
0x82: {  	s25 =	sand.u32 $0x380, s25;
	s10 =	sor.u32 s11, s10;
	v1 =	vmul.f32 $3.125000000e-02, v1;
	v4 =	vld [tilespmem:s22+$0x8050];
	[tilespmem:s23+$0x8060] =	vst v2;
	(pc) =	sbr.rel @p0 .LBB2_6-.Ltmp2, $4  }
0x83: {  	s23 =	smov.u32 s22;
	v3 =	vmul.f32 $3.125000000e-02, v3;
	v2 =	vld [tilespmem:s22+$0x8060];
	[tilespmem:s22+$0x8070] =	vst v0;
	s22 =	sor.u32 s25, s10  }
0x84: {  	v0 =	vld [tilespmem:s22+$0x8070];
	[tilespmem:s23+$0x8000] =	vst v1;
	v7 =	vmul.f32 $3.125000000e-02, v7  }
0x85: {  	v1 =	vld [tilespmem:s22+$0x8000];
	[tilespmem:s23+$0x8010] =	vst v3;
	v6 =	vmul.f32 $3.125000000e-02, v6  }
0x86: {  	v3 =	vld [tilespmem:s22+$0x8010];
	[tilespmem:s23+$0x8020] =	vst v7;
	v5 =	vmul.f32 $3.125000000e-02, v5  }
0x87: {  	v7 =	vld [tilespmem:s22+$0x8020];
	[tilespmem:s23+$0x8030] =	vst v6;
	v4 =	vmul.f32 $3.125000000e-02, v4  }
0x88: {  	v6 =	vld [tilespmem:s22+$0x8030];
	[tilespmem:s23+$0x8040] =	vst v5;
	v2 =	vmul.f32 $3.125000000e-02, v2  }
0x89: {  	v5 =	vld [tilespmem:s22+$0x8040];
	v0 =	vmul.f32 $3.125000000e-02, v0;
	[tilespmem:s23+$0x8050] =	vst v4  }
0x8a: {  	v4 =	vld [tilespmem:s22+$0x8050];
	v1 =	vmul.f32 $3.125000000e-02, v1;
	[tilespmem:s23+$0x8060] =	vst v2  }
0x8b: {  	v2 =	vmul.f32 $3.125000000e-02, v3;
	v3 =	vld [tilespmem:s22+$0x8060];
	[tilespmem:s22+$0x8070] =	vst v0  }
0x8c: {  	[tilespmem:s22+$0x8000] =	vst v1;
	v0 =	vmul.f32 $3.125000000e-02, v7  }
0x8d: {  	v1 =	vmul.f32 $3.125000000e-02, v6;
	[tilespmem:s22+$0x8010] =	vst v2  }
0x8e: {  	[tilespmem:s22+$0x8020] =	vst v0;
	v0 =	vmul.f32 $3.125000000e-02, v5  }
0x8f: {  	[tilespmem:s22+$0x8030] =	vst v1;
	v1 =	vmul.f32 $3.125000000e-02, v4  }
0x90: {  	[tilespmem:s22+$0x8040] =	vst v0;
	v0 =	vmul.f32 $3.125000000e-02, v3  }
0x91: {  	[tilespmem:s22+$0x8050] =	vst v1  }
0x92: {  	s9 =	simm.s32 $0x0;
	s10 =	simm.s32 $0x8000;
	s11 =	simm.s32 $0x0;
	[tilespmem:s22+$0x8060] =	vst v0  }
0x93: {  	[hbm4b:s13+s9] =	stream.linear.scatter [tilespmem:s10], [sflag:$0xA], $0x4000, $0x38;
	[tilespmem:$0x1C000] =	vst v63  }
0x94: {  	s10 =	sand.u32 $0x2000, s11  }
0x95: {  	s9 =	sand.u32 $0x1C00, s9;
	s11 =	simm.s32 $0x0;
	_ =	swait.ge [sflag:s31], $0x4000  }
0x96: {  	s11 =	sand.u32 $0x380, s11;
	s9 =	sor.u32 s9, s10;
	[sflag:s31] =	ssyncset.done $0x0  }
0x97: {  	s23 =	sor.u32 s11, s9;
	[sflag:s31] =	ssyncadd.s32 $0xFFFFC000  }
0x98: {  	v0 =	vld [tilespmem:s23+$0xC070]  }
0x99: {  	v1 =	vld [tilespmem:s23+$0xC000]  }
0x9a: {  	v2 =	vld [tilespmem:s23+$0xC010]  }
0x9b: {  	v3 =	vld [tilespmem:s23+$0xC020]  }
0x9c: {  	s22 =	simm.s32 $0x80;
	s9 =	simm.s32 $0x400;
	v5 =	vld [tilespmem:s23+$0xC030]  }
0x9d: {  	s25 =	simm.s32 $0x10;
	s10 =	sand.u32 $0x2000, s22;
	s24 =	sand.u32 $0x1C00, s9;
	v7 =	vld [tilespmem:s23+$0xC040];
	v0 =	vmul.f32 $3.125000000e-02, v0  }
0x9e: {  	s22 =	sand.u32 $0x380, s25;
	s10 =	sor.u32 s24, s10;
	v4 =	vld [tilespmem:s23+$0xC050];
	v1 =	vmul.f32 $3.125000000e-02, v1  }
0x9f: {  	s22 =	sor.u32 s22, s10;
	v6 =	vmul.f32 $3.125000000e-02, v2;
	v2 =	vld [tilespmem:s23+$0xC060];
	[tilespmem:s23+$0xC070] =	vst v0  }
0xa0: {  	v8 =	vmul.f32 $3.125000000e-02, v3;
	v0 =	vld [tilespmem:s22+$0xC070];
	[tilespmem:s23+$0xC000] =	vst v1  }
0xa1: {  	v1 =	vld [tilespmem:s22+$0xC000];
	[tilespmem:s23+$0xC010] =	vst v6;
	v6 =	vmul.f32 $3.125000000e-02, v5  }
0xa2: {  	s24 =	simm.s32 $0x8;
	v3 =	vld [tilespmem:s22+$0xC010];
	[tilespmem:s23+$0xC020] =	vst v8;
	v5 =	vmul.f32 $3.125000000e-02, v7  }
.LBB2_8:
0xa3: {  	s24 =	sadd.s32 $0x8, s24;
	v7 =	vld [tilespmem:s22+$0xC020];
	[tilespmem:s23+$0xC030] =	vst v6;
	v4 =	vmul.f32 $3.125000000e-02, v4  }
0xa4: {  	s9 =	sadd.s32 $0x400, s9;
	s10 =	sshll.u32 s24, $0x4;
	p0 =	slt.u32 s24, $0x3F8;
	v6 =	vld [tilespmem:s22+$0xC030];
	[tilespmem:s23+$0xC040] =	vst v5;
	v2 =	vmul.f32 $3.125000000e-02, v2  }
0xa5: {  	s11 =	sand.u32 $0x1C00, s9;
	s25 =	sshll.u32 s24, $0x1;
	s10 =	sand.u32 $0x2000, s10;
	v5 =	vld [tilespmem:s22+$0xC040];
	v0 =	vmul.f32 $3.125000000e-02, v0;
	[tilespmem:s23+$0xC050] =	vst v4  }
.Ltmp3:
0xa6: {  	s25 =	sand.u32 $0x380, s25;
	s10 =	sor.u32 s11, s10;
	v1 =	vmul.f32 $3.125000000e-02, v1;
	v4 =	vld [tilespmem:s22+$0xC050];
	[tilespmem:s23+$0xC060] =	vst v2;
	(pc) =	sbr.rel @p0 .LBB2_8-.Ltmp3, $4  }
0xa7: {  	s23 =	smov.u32 s22;
	v3 =	vmul.f32 $3.125000000e-02, v3;
	v2 =	vld [tilespmem:s22+$0xC060];
	[tilespmem:s22+$0xC070] =	vst v0;
	s22 =	sor.u32 s25, s10  }
0xa8: {  	v0 =	vld [tilespmem:s22+$0xC070];
	[tilespmem:s23+$0xC000] =	vst v1;
	v7 =	vmul.f32 $3.125000000e-02, v7  }
0xa9: {  	v1 =	vld [tilespmem:s22+$0xC000];
	[tilespmem:s23+$0xC010] =	vst v3;
	v6 =	vmul.f32 $3.125000000e-02, v6  }
0xaa: {  	v3 =	vld [tilespmem:s22+$0xC010];
	[tilespmem:s23+$0xC020] =	vst v7;
	v5 =	vmul.f32 $3.125000000e-02, v5  }
0xab: {  	v7 =	vld [tilespmem:s22+$0xC020];
	[tilespmem:s23+$0xC030] =	vst v6;
	v4 =	vmul.f32 $3.125000000e-02, v4  }
0xac: {  	v6 =	vld [tilespmem:s22+$0xC030];
	[tilespmem:s23+$0xC040] =	vst v5;
	v2 =	vmul.f32 $3.125000000e-02, v2  }
0xad: {  	v5 =	vld [tilespmem:s22+$0xC040];
	v0 =	vmul.f32 $3.125000000e-02, v0;
	[tilespmem:s23+$0xC050] =	vst v4  }
0xae: {  	v4 =	vld [tilespmem:s22+$0xC050];
	v1 =	vmul.f32 $3.125000000e-02, v1;
	[tilespmem:s23+$0xC060] =	vst v2  }
0xaf: {  	v2 =	vmul.f32 $3.125000000e-02, v3;
	v3 =	vld [tilespmem:s22+$0xC060];
	[tilespmem:s22+$0xC070] =	vst v0  }
0xb0: {  	[tilespmem:s22+$0xC000] =	vst v1;
	v0 =	vmul.f32 $3.125000000e-02, v7  }
0xb1: {  	v1 =	vmul.f32 $3.125000000e-02, v6;
	[tilespmem:s22+$0xC010] =	vst v2  }
0xb2: {  	[tilespmem:s22+$0xC020] =	vst v0;
	v0 =	vmul.f32 $3.125000000e-02, v5  }
0xb3: {  	[tilespmem:s22+$0xC030] =	vst v1;
	v1 =	vmul.f32 $3.125000000e-02, v4  }
0xb4: {  	[tilespmem:s22+$0xC040] =	vst v0;
	v0 =	vmul.f32 $3.125000000e-02, v3  }
0xb5: {  	[tilespmem:s22+$0xC050] =	vst v1  }
0xb6: {  	s9 =	simm.s32 $0x0;
	s10 =	simm.s32 $0xC000;
	s11 =	simm.s32 $0x0;
	[tilespmem:s22+$0xC060] =	vst v0  }
0xb7: {  	[hbm4b:s14+s9] =	stream.linear.scatter [tilespmem:s10], [sflag:$0xB], $0x4000, $0x38;
	[tilespmem:$0x1C000] =	vst v63  }
0xb8: {  	s10 =	sand.u32 $0x2000, s11  }
0xb9: {  	s9 =	sand.u32 $0x1C00, s9;
	s11 =	simm.s32 $0x0;
	_ =	swait.ge [sflag:s0], $0x4000  }
0xba: {  	s11 =	sand.u32 $0x380, s11;
	s9 =	sor.u32 s9, s10;
	[sflag:s0] =	ssyncset.done $0x0  }
0xbb: {  	s23 =	sor.u32 s11, s9;
	[sflag:s0] =	ssyncadd.s32 $0xFFFFC000  }
0xbc: {  	v0 =	vld [tilespmem:s23+$0x10070]  }
0xbd: {  	v1 =	vld [tilespmem:s23+$0x10000]  }
0xbe: {  	v2 =	vld [tilespmem:s23+$0x10010]  }
0xbf: {  	v3 =	vld [tilespmem:s23+$0x10020]  }
0xc0: {  	s22 =	simm.s32 $0x80;
	s9 =	simm.s32 $0x400;
	v5 =	vld [tilespmem:s23+$0x10030]  }
0xc1: {  	s25 =	simm.s32 $0x10;
	s10 =	sand.u32 $0x2000, s22;
	s24 =	sand.u32 $0x1C00, s9;
	v7 =	vld [tilespmem:s23+$0x10040];
	v0 =	vmul.f32 $3.125000000e-02, v0  }
0xc2: {  	s22 =	sand.u32 $0x380, s25;
	s10 =	sor.u32 s24, s10;
	v4 =	vld [tilespmem:s23+$0x10050];
	v1 =	vmul.f32 $3.125000000e-02, v1  }
0xc3: {  	s22 =	sor.u32 s22, s10;
	v6 =	vmul.f32 $3.125000000e-02, v2;
	v2 =	vld [tilespmem:s23+$0x10060];
	[tilespmem:s23+$0x10070] =	vst v0  }
0xc4: {  	v8 =	vmul.f32 $3.125000000e-02, v3;
	v0 =	vld [tilespmem:s22+$0x10070];
	[tilespmem:s23+$0x10000] =	vst v1  }
0xc5: {  	v1 =	vld [tilespmem:s22+$0x10000];
	[tilespmem:s23+$0x10010] =	vst v6;
	v6 =	vmul.f32 $3.125000000e-02, v5  }
0xc6: {  	s24 =	simm.s32 $0x8;
	v3 =	vld [tilespmem:s22+$0x10010];
	[tilespmem:s23+$0x10020] =	vst v8;
	v5 =	vmul.f32 $3.125000000e-02, v7  }
.LBB2_10:
0xc7: {  	s24 =	sadd.s32 $0x8, s24;
	v7 =	vld [tilespmem:s22+$0x10020];
	[tilespmem:s23+$0x10030] =	vst v6;
	v4 =	vmul.f32 $3.125000000e-02, v4  }
0xc8: {  	s9 =	sadd.s32 $0x400, s9;
	s10 =	sshll.u32 s24, $0x4;
	p0 =	slt.u32 s24, $0x3F8;
	v6 =	vld [tilespmem:s22+$0x10030];
	[tilespmem:s23+$0x10040] =	vst v5;
	v2 =	vmul.f32 $3.125000000e-02, v2  }
0xc9: {  	s11 =	sand.u32 $0x1C00, s9;
	s25 =	sshll.u32 s24, $0x1;
	s10 =	sand.u32 $0x2000, s10;
	v5 =	vld [tilespmem:s22+$0x10040];
	v0 =	vmul.f32 $3.125000000e-02, v0;
	[tilespmem:s23+$0x10050] =	vst v4  }
.Ltmp4:
0xca: {  	s25 =	sand.u32 $0x380, s25;
	s10 =	sor.u32 s11, s10;
	v1 =	vmul.f32 $3.125000000e-02, v1;
	v4 =	vld [tilespmem:s22+$0x10050];
	[tilespmem:s23+$0x10060] =	vst v2;
	(pc) =	sbr.rel @p0 .LBB2_10-.Ltmp4, $4  }
0xcb: {  	s23 =	smov.u32 s22;
	v3 =	vmul.f32 $3.125000000e-02, v3;
	v2 =	vld [tilespmem:s22+$0x10060];
	[tilespmem:s22+$0x10070] =	vst v0;
	s22 =	sor.u32 s25, s10  }
0xcc: {  	v0 =	vld [tilespmem:s22+$0x10070];
	[tilespmem:s23+$0x10000] =	vst v1;
	v7 =	vmul.f32 $3.125000000e-02, v7  }
0xcd: {  	v1 =	vld [tilespmem:s22+$0x10000];
	[tilespmem:s23+$0x10010] =	vst v3;
	v6 =	vmul.f32 $3.125000000e-02, v6  }
0xce: {  	v3 =	vld [tilespmem:s22+$0x10010];
	[tilespmem:s23+$0x10020] =	vst v7;
	v5 =	vmul.f32 $3.125000000e-02, v5  }
0xcf: {  	v7 =	vld [tilespmem:s22+$0x10020];
	[tilespmem:s23+$0x10030] =	vst v6;
	v4 =	vmul.f32 $3.125000000e-02, v4  }
0xd0: {  	v6 =	vld [tilespmem:s22+$0x10030];
	[tilespmem:s23+$0x10040] =	vst v5;
	v2 =	vmul.f32 $3.125000000e-02, v2  }
0xd1: {  	v5 =	vld [tilespmem:s22+$0x10040];
	v0 =	vmul.f32 $3.125000000e-02, v0;
	[tilespmem:s23+$0x10050] =	vst v4  }
0xd2: {  	v4 =	vld [tilespmem:s22+$0x10050];
	v1 =	vmul.f32 $3.125000000e-02, v1;
	[tilespmem:s23+$0x10060] =	vst v2  }
0xd3: {  	v2 =	vmul.f32 $3.125000000e-02, v3;
	v3 =	vld [tilespmem:s22+$0x10060];
	[tilespmem:s22+$0x10070] =	vst v0  }
0xd4: {  	[tilespmem:s22+$0x10000] =	vst v1;
	v0 =	vmul.f32 $3.125000000e-02, v7  }
0xd5: {  	v1 =	vmul.f32 $3.125000000e-02, v6;
	[tilespmem:s22+$0x10010] =	vst v2  }
0xd6: {  	[tilespmem:s22+$0x10020] =	vst v0;
	v0 =	vmul.f32 $3.125000000e-02, v5  }
0xd7: {  	[tilespmem:s22+$0x10030] =	vst v1;
	v1 =	vmul.f32 $3.125000000e-02, v4  }
0xd8: {  	[tilespmem:s22+$0x10040] =	vst v0;
	v0 =	vmul.f32 $3.125000000e-02, v3  }
0xd9: {  	[tilespmem:s22+$0x10050] =	vst v1  }
0xda: {  	s9 =	simm.s32 $0x0;
	s10 =	simm.s32 $0x10000;
	s11 =	simm.s32 $0x0;
	[tilespmem:s22+$0x10060] =	vst v0  }
0xdb: {  	[hbm4b:s15+s9] =	stream.linear.scatter [tilespmem:s10], [sflag:$0xC], $0x4000, $0x38;
	[tilespmem:$0x1C000] =	vst v63  }
0xdc: {  	s10 =	sand.u32 $0x2000, s11  }
0xdd: {  	s9 =	sand.u32 $0x1C00, s9;
	s11 =	simm.s32 $0x0;
	_ =	swait.ge [sflag:s1], $0x4000  }
0xde: {  	s11 =	sand.u32 $0x380, s11;
	s9 =	sor.u32 s9, s10;
	[sflag:s1] =	ssyncset.done $0x0  }
0xdf: {  	s23 =	sor.u32 s11, s9;
	[sflag:s1] =	ssyncadd.s32 $0xFFFFC000  }
0xe0: {  	v0 =	vld [tilespmem:s23+$0x14070]  }
0xe1: {  	v1 =	vld [tilespmem:s23+$0x14000]  }
0xe2: {  	v2 =	vld [tilespmem:s23+$0x14010]  }
0xe3: {  	v3 =	vld [tilespmem:s23+$0x14020]  }
0xe4: {  	s22 =	simm.s32 $0x80;
	s9 =	simm.s32 $0x400;
	v5 =	vld [tilespmem:s23+$0x14030]  }
0xe5: {  	s25 =	simm.s32 $0x10;
	s10 =	sand.u32 $0x2000, s22;
	s24 =	sand.u32 $0x1C00, s9;
	v7 =	vld [tilespmem:s23+$0x14040];
	v0 =	vmul.f32 $3.125000000e-02, v0  }
0xe6: {  	s22 =	sand.u32 $0x380, s25;
	s10 =	sor.u32 s24, s10;
	v4 =	vld [tilespmem:s23+$0x14050];
	v1 =	vmul.f32 $3.125000000e-02, v1  }
0xe7: {  	s22 =	sor.u32 s22, s10;
	v6 =	vmul.f32 $3.125000000e-02, v2;
	v2 =	vld [tilespmem:s23+$0x14060];
	[tilespmem:s23+$0x14070] =	vst v0  }
0xe8: {  	v8 =	vmul.f32 $3.125000000e-02, v3;
	v0 =	vld [tilespmem:s22+$0x14070];
	[tilespmem:s23+$0x14000] =	vst v1  }
0xe9: {  	v1 =	vld [tilespmem:s22+$0x14000];
	[tilespmem:s23+$0x14010] =	vst v6;
	v6 =	vmul.f32 $3.125000000e-02, v5  }
0xea: {  	s24 =	simm.s32 $0x8;
	v3 =	vld [tilespmem:s22+$0x14010];
	[tilespmem:s23+$0x14020] =	vst v8;
	v5 =	vmul.f32 $3.125000000e-02, v7  }
.LBB2_12:
0xeb: {  	s24 =	sadd.s32 $0x8, s24;
	v7 =	vld [tilespmem:s22+$0x14020];
	[tilespmem:s23+$0x14030] =	vst v6;
	v4 =	vmul.f32 $3.125000000e-02, v4  }
0xec: {  	s9 =	sadd.s32 $0x400, s9;
	s10 =	sshll.u32 s24, $0x4;
	p0 =	slt.u32 s24, $0x3F8;
	v6 =	vld [tilespmem:s22+$0x14030];
	[tilespmem:s23+$0x14040] =	vst v5;
	v2 =	vmul.f32 $3.125000000e-02, v2  }
0xed: {  	s11 =	sand.u32 $0x1C00, s9;
	s25 =	sshll.u32 s24, $0x1;
	s10 =	sand.u32 $0x2000, s10;
	v5 =	vld [tilespmem:s22+$0x14040];
	v0 =	vmul.f32 $3.125000000e-02, v0;
	[tilespmem:s23+$0x14050] =	vst v4  }
.Ltmp5:
0xee: {  	s25 =	sand.u32 $0x380, s25;
	s10 =	sor.u32 s11, s10;
	v1 =	vmul.f32 $3.125000000e-02, v1;
	v4 =	vld [tilespmem:s22+$0x14050];
	[tilespmem:s23+$0x14060] =	vst v2;
	(pc) =	sbr.rel @p0 .LBB2_12-.Ltmp5, $4  }
0xef: {  	s23 =	smov.u32 s22;
	v3 =	vmul.f32 $3.125000000e-02, v3;
	v2 =	vld [tilespmem:s22+$0x14060];
	[tilespmem:s22+$0x14070] =	vst v0;
	s22 =	sor.u32 s25, s10  }
0xf0: {  	v0 =	vld [tilespmem:s22+$0x14070];
	[tilespmem:s23+$0x14000] =	vst v1;
	v7 =	vmul.f32 $3.125000000e-02, v7  }
0xf1: {  	v1 =	vld [tilespmem:s22+$0x14000];
	[tilespmem:s23+$0x14010] =	vst v3;
	v6 =	vmul.f32 $3.125000000e-02, v6  }
0xf2: {  	v3 =	vld [tilespmem:s22+$0x14010];
	[tilespmem:s23+$0x14020] =	vst v7;
	v5 =	vmul.f32 $3.125000000e-02, v5  }
0xf3: {  	v7 =	vld [tilespmem:s22+$0x14020];
	[tilespmem:s23+$0x14030] =	vst v6;
	v4 =	vmul.f32 $3.125000000e-02, v4  }
0xf4: {  	v6 =	vld [tilespmem:s22+$0x14030];
	[tilespmem:s23+$0x14040] =	vst v5;
	v2 =	vmul.f32 $3.125000000e-02, v2  }
0xf5: {  	v5 =	vld [tilespmem:s22+$0x14040];
	v0 =	vmul.f32 $3.125000000e-02, v0;
	[tilespmem:s23+$0x14050] =	vst v4  }
0xf6: {  	v4 =	vld [tilespmem:s22+$0x14050];
	v1 =	vmul.f32 $3.125000000e-02, v1;
	[tilespmem:s23+$0x14060] =	vst v2  }
0xf7: {  	v2 =	vmul.f32 $3.125000000e-02, v3;
	v3 =	vld [tilespmem:s22+$0x14060];
	[tilespmem:s22+$0x14070] =	vst v0  }
0xf8: {  	[tilespmem:s22+$0x14000] =	vst v1;
	v0 =	vmul.f32 $3.125000000e-02, v7  }
0xf9: {  	v1 =	vmul.f32 $3.125000000e-02, v6;
	[tilespmem:s22+$0x14010] =	vst v2  }
0xfa: {  	[tilespmem:s22+$0x14020] =	vst v0;
	v0 =	vmul.f32 $3.125000000e-02, v5  }
0xfb: {  	[tilespmem:s22+$0x14030] =	vst v1;
	v1 =	vmul.f32 $3.125000000e-02, v4  }
0xfc: {  	[tilespmem:s22+$0x14040] =	vst v0;
	v0 =	vmul.f32 $3.125000000e-02, v3  }
0xfd: {  	[tilespmem:s22+$0x14050] =	vst v1  }
0xfe: {  	s9 =	simm.s32 $0x0;
	s10 =	simm.s32 $0x14000;
	s11 =	simm.s32 $0x0;
	[tilespmem:s22+$0x14060] =	vst v0  }
0xff: {  	[hbm4b:s16+s9] =	stream.linear.scatter [tilespmem:s10], [sflag:$0xD], $0x4000, $0x38;
	[tilespmem:$0x1C000] =	vst v63  }
0x100: {  	s10 =	sand.u32 $0x2000, s11  }
0x101: {  	s9 =	sand.u32 $0x1C00, s9;
	s11 =	simm.s32 $0x0;
	_ =	swait.ge [sflag:s3], $0x4000  }
0x102: {  	s11 =	sand.u32 $0x380, s11;
	s9 =	sor.u32 s9, s10;
	[sflag:s3] =	ssyncset.done $0x0  }
0x103: {  	s23 =	sor.u32 s11, s9;
	[sflag:s3] =	ssyncadd.s32 $0xFFFFC000  }
0x104: {  	v0 =	vld [tilespmem:s23+$0x18070]  }
0x105: {  	v1 =	vld [tilespmem:s23+$0x18000]  }
0x106: {  	v2 =	vld [tilespmem:s23+$0x18010]  }
0x107: {  	v3 =	vld [tilespmem:s23+$0x18020]  }
0x108: {  	s22 =	simm.s32 $0x80;
	s9 =	simm.s32 $0x400;
	v5 =	vld [tilespmem:s23+$0x18030]  }
0x109: {  	s25 =	simm.s32 $0x10;
	s10 =	sand.u32 $0x2000, s22;
	s24 =	sand.u32 $0x1C00, s9;
	v7 =	vld [tilespmem:s23+$0x18040];
	v0 =	vmul.f32 $3.125000000e-02, v0  }
0x10a: {  	s22 =	sand.u32 $0x380, s25;
	s10 =	sor.u32 s24, s10;
	v4 =	vld [tilespmem:s23+$0x18050];
	v1 =	vmul.f32 $3.125000000e-02, v1  }
0x10b: {  	s22 =	sor.u32 s22, s10;
	v6 =	vmul.f32 $3.125000000e-02, v2;
	v2 =	vld [tilespmem:s23+$0x18060];
	[tilespmem:s23+$0x18070] =	vst v0  }
0x10c: {  	v8 =	vmul.f32 $3.125000000e-02, v3;
	v0 =	vld [tilespmem:s22+$0x18070];
	[tilespmem:s23+$0x18000] =	vst v1  }
0x10d: {  	v1 =	vld [tilespmem:s22+$0x18000];
	[tilespmem:s23+$0x18010] =	vst v6;
	v6 =	vmul.f32 $3.125000000e-02, v5  }
0x10e: {  	s24 =	simm.s32 $0x8;
	v3 =	vld [tilespmem:s22+$0x18010];
	[tilespmem:s23+$0x18020] =	vst v8;
	v5 =	vmul.f32 $3.125000000e-02, v7  }
.LBB2_14:
0x10f: {  	s24 =	sadd.s32 $0x8, s24;
	v7 =	vld [tilespmem:s22+$0x18020];
	[tilespmem:s23+$0x18030] =	vst v6;
	v4 =	vmul.f32 $3.125000000e-02, v4  }
0x110: {  	s9 =	sadd.s32 $0x400, s9;
	s10 =	sshll.u32 s24, $0x4;
	p0 =	slt.u32 s24, $0x3F8;
	v6 =	vld [tilespmem:s22+$0x18030];
	[tilespmem:s23+$0x18040] =	vst v5;
	v2 =	vmul.f32 $3.125000000e-02, v2  }
0x111: {  	s11 =	sand.u32 $0x1C00, s9;
	s25 =	sshll.u32 s24, $0x1;
	s10 =	sand.u32 $0x2000, s10;
	v5 =	vld [tilespmem:s22+$0x18040];
	v0 =	vmul.f32 $3.125000000e-02, v0;
	[tilespmem:s23+$0x18050] =	vst v4  }
.Ltmp6:
0x112: {  	s25 =	sand.u32 $0x380, s25;
	s10 =	sor.u32 s11, s10;
	v1 =	vmul.f32 $3.125000000e-02, v1;
	v4 =	vld [tilespmem:s22+$0x18050];
	[tilespmem:s23+$0x18060] =	vst v2;
	(pc) =	sbr.rel @p0 .LBB2_14-.Ltmp6, $4  }
0x113: {  	s23 =	smov.u32 s22;
	v3 =	vmul.f32 $3.125000000e-02, v3;
	v2 =	vld [tilespmem:s22+$0x18060];
	[tilespmem:s22+$0x18070] =	vst v0;
	s22 =	sor.u32 s25, s10  }
0x114: {  	v0 =	vld [tilespmem:s22+$0x18070];
	[tilespmem:s23+$0x18000] =	vst v1;
	v7 =	vmul.f32 $3.125000000e-02, v7  }
0x115: {  	v1 =	vld [tilespmem:s22+$0x18000];
	[tilespmem:s23+$0x18010] =	vst v3;
	v6 =	vmul.f32 $3.125000000e-02, v6  }
0x116: {  	v3 =	vld [tilespmem:s22+$0x18010];
	[tilespmem:s23+$0x18020] =	vst v7;
	v5 =	vmul.f32 $3.125000000e-02, v5  }
0x117: {  	v7 =	vld [tilespmem:s22+$0x18020];
	[tilespmem:s23+$0x18030] =	vst v6;
	v4 =	vmul.f32 $3.125000000e-02, v4  }
0x118: {  	v6 =	vld [tilespmem:s22+$0x18030];
	[tilespmem:s23+$0x18040] =	vst v5;
	v2 =	vmul.f32 $3.125000000e-02, v2  }
0x119: {  	v5 =	vld [tilespmem:s22+$0x18040];
	v0 =	vmul.f32 $3.125000000e-02, v0;
	[tilespmem:s23+$0x18050] =	vst v4  }
0x11a: {  	v4 =	vld [tilespmem:s22+$0x18050];
	v1 =	vmul.f32 $3.125000000e-02, v1;
	[tilespmem:s23+$0x18060] =	vst v2  }
0x11b: {  	v2 =	vmul.f32 $3.125000000e-02, v3;
	v3 =	vld [tilespmem:s22+$0x18060];
	[tilespmem:s22+$0x18070] =	vst v0  }
0x11c: {  	[tilespmem:s22+$0x18000] =	vst v1;
	v0 =	vmul.f32 $3.125000000e-02, v7  }
0x11d: {  	v1 =	vmul.f32 $3.125000000e-02, v6;
	[tilespmem:s22+$0x18010] =	vst v2  }
0x11e: {  	[tilespmem:s22+$0x18020] =	vst v0;
	v0 =	vmul.f32 $3.125000000e-02, v5  }
0x11f: {  	[tilespmem:s22+$0x18030] =	vst v1;
	v1 =	vmul.f32 $3.125000000e-02, v4  }
0x120: {  	[tilespmem:s22+$0x18040] =	vst v0;
	v0 =	vmul.f32 $3.125000000e-02, v3  }
0x121: {  	[tilespmem:s22+$0x18050] =	vst v1  }
0x122: {  	s9 =	simm.s32 $0x0;
	s10 =	simm.s32 $0x18000;
	s11 =	simm.s32 $0x0;
	[tilespmem:s22+$0x18060] =	vst v0  }
0x123: {  	[hbm4b:s17+s9] =	stream.linear.scatter [tilespmem:s10], [sflag:$0xE], $0x4000, $0x38;
	[tilespmem:$0x1C000] =	vst v63  }
0x124: {  	s10 =	sand.u32 $0x2000, s11  }
0x125: {  	s9 =	sand.u32 $0x1C00, s9;
	s11 =	simm.s32 $0x0;
	_ =	swait.ge [sflag:s26], $0x4000  }
0x126: {  	s11 =	sand.u32 $0x380, s11;
	s9 =	sor.u32 s9, s10;
	[sflag:s26] =	ssyncset.done $0x0  }
0x127: {  	s23 =	sor.u32 s11, s9;
	[sflag:s26] =	ssyncadd.s32 $0xFFFFC000  }
0x128: {  	v0 =	vld [tilespmem:s23+$0x70]  }
0x129: {  	v1 =	vld [tilespmem:s23+$0x0]  }
0x12a: {  	v2 =	vld [tilespmem:s23+$0x10]  }
0x12b: {  	v3 =	vld [tilespmem:s23+$0x20]  }
0x12c: {  	s22 =	simm.s32 $0x80;
	s9 =	simm.s32 $0x400;
	v5 =	vld [tilespmem:s23+$0x30]  }
0x12d: {  	s25 =	simm.s32 $0x10;
	s10 =	sand.u32 $0x2000, s22;
	s24 =	sand.u32 $0x1C00, s9;
	v7 =	vld [tilespmem:s23+$0x40];
	v0 =	vmul.f32 $3.125000000e-02, v0  }
0x12e: {  	s22 =	sand.u32 $0x380, s25;
	s10 =	sor.u32 s24, s10;
	v4 =	vld [tilespmem:s23+$0x50];
	v1 =	vmul.f32 $3.125000000e-02, v1  }
0x12f: {  	s22 =	sor.u32 s22, s10;
	v6 =	vmul.f32 $3.125000000e-02, v2;
	v2 =	vld [tilespmem:s23+$0x60];
	[tilespmem:s23+$0x70] =	vst v0  }
0x130: {  	v8 =	vmul.f32 $3.125000000e-02, v3;
	v0 =	vld [tilespmem:s22+$0x70];
	[tilespmem:s23+$0x0] =	vst v1  }
0x131: {  	v1 =	vld [tilespmem:s22+$0x0];
	[tilespmem:s23+$0x10] =	vst v6;
	v6 =	vmul.f32 $3.125000000e-02, v5  }
0x132: {  	s24 =	simm.s32 $0x8;
	v3 =	vld [tilespmem:s22+$0x10];
	[tilespmem:s23+$0x20] =	vst v8;
	v5 =	vmul.f32 $3.125000000e-02, v7  }
.LBB2_16:
0x133: {  	s24 =	sadd.s32 $0x8, s24;
	v7 =	vld [tilespmem:s22+$0x20];
	[tilespmem:s23+$0x30] =	vst v6;
	v4 =	vmul.f32 $3.125000000e-02, v4  }
0x134: {  	s9 =	sadd.s32 $0x400, s9;
	s10 =	sshll.u32 s24, $0x4;
	p0 =	slt.u32 s24, $0x3F8;
	v6 =	vld [tilespmem:s22+$0x30];
	[tilespmem:s23+$0x40] =	vst v5;
	v2 =	vmul.f32 $3.125000000e-02, v2  }
0x135: {  	s11 =	sand.u32 $0x1C00, s9;
	s25 =	sshll.u32 s24, $0x1;
	s10 =	sand.u32 $0x2000, s10;
	v5 =	vld [tilespmem:s22+$0x40];
	v0 =	vmul.f32 $3.125000000e-02, v0;
	[tilespmem:s23+$0x50] =	vst v4  }
.Ltmp7:
0x136: {  	s25 =	sand.u32 $0x380, s25;
	s10 =	sor.u32 s11, s10;
	v1 =	vmul.f32 $3.125000000e-02, v1;
	v4 =	vld [tilespmem:s22+$0x50];
	[tilespmem:s23+$0x60] =	vst v2;
	(pc) =	sbr.rel @p0 .LBB2_16-.Ltmp7, $4  }
0x137: {  	s23 =	smov.u32 s22;
	v3 =	vmul.f32 $3.125000000e-02, v3;
	v2 =	vld [tilespmem:s22+$0x60];
	[tilespmem:s22+$0x70] =	vst v0;
	s22 =	sor.u32 s25, s10  }
0x138: {  	v0 =	vld [tilespmem:s22+$0x70];
	[tilespmem:s23+$0x0] =	vst v1;
	v7 =	vmul.f32 $3.125000000e-02, v7  }
0x139: {  	v1 =	vld [tilespmem:s22+$0x0];
	[tilespmem:s23+$0x10] =	vst v3;
	v6 =	vmul.f32 $3.125000000e-02, v6  }
0x13a: {  	v3 =	vld [tilespmem:s22+$0x10];
	[tilespmem:s23+$0x20] =	vst v7;
	v5 =	vmul.f32 $3.125000000e-02, v5  }
0x13b: {  	v7 =	vld [tilespmem:s22+$0x20];
	[tilespmem:s23+$0x30] =	vst v6;
	v4 =	vmul.f32 $3.125000000e-02, v4  }
0x13c: {  	v54 =	vld [tilespmem:s22+$0x30];
	[tilespmem:s23+$0x40] =	vst v5;
	v2 =	vmul.f32 $3.125000000e-02, v2  }
0x13d: {  	v55 =	vld [tilespmem:s22+$0x40];
	v0 =	vmul.f32 $3.125000000e-02, v0;
	[tilespmem:s23+$0x50] =	vst v4  }
0x13e: {  	v56 =	vld [tilespmem:s22+$0x50];
	v1 =	vmul.f32 $3.125000000e-02, v1;
	[tilespmem:s23+$0x60] =	vst v2  }
0x13f: {  	v58 =	vld [tilespmem:s22+$0x60];
	v57 =	vmul.f32 $3.125000000e-02, v3;
	[tilespmem:s22+$0x70] =	vst v0  }
0x140: {  	[tilespmem:s22+$0x0] =	vst v1;
	v59 =	vmul.f32 $3.125000000e-02, v7  }
0x141: {  	v60 =	vmul.f32 $3.125000000e-02, v54;
	[tilespmem:s22+$0x10] =	vst v57  }
0x142: {  	v61 =	vmul.f32 $3.125000000e-02, v55;
	[tilespmem:s22+$0x20] =	vst v59  }
0x143: {  	v62 =	vmul.f32 $3.125000000e-02, v56;
	[tilespmem:s22+$0x30] =	vst v60  }
0x144: {  	v63 =	vmul.f32 $3.125000000e-02, v58;
	[tilespmem:s22+$0x40] =	vst v61  }
0x145: {  	[tilespmem:s22+$0x50] =	vst v62  }
0x146: {  	[tilespmem:s22+$0x60] =	vst v63  }
0x147: {  	[hbm4b:s18+s2] =	stream.linear.scatter [tilespmem:s2], [sflag:$0x8], $0x4000, $0x38;
	[tilespmem:$0x1C000] =	vst v63  }
0x148: {  	_ =	swait.ge [sflag:s4], $0x4000  }
0x149: {  	[sflag:s4] =	ssyncset.done $0x0  }
0x14a: {  	[sflag:s4] =	ssyncadd.s32 $0xFFFFC000  }
0x14b: {  	_ =	swait.ge [sflag:s5], $0x4000  }
0x14c: {  	[sflag:s5] =	ssyncset.done $0x0  }
0x14d: {  	[sflag:s5] =	ssyncadd.s32 $0xFFFFC000  }
0x14e: {  	_ =	swait.ge [sflag:s6], $0x4000  }
0x14f: {  	[sflag:s6] =	ssyncset.done $0x0  }
0x150: {  	[sflag:s6] =	ssyncadd.s32 $0xFFFFC000  }
0x151: {  	_ =	swait.ge [sflag:s20], $0x4000  }
0x152: {  	[sflag:s20] =	ssyncset.done $0x0  }
0x153: {  	[sflag:s20] =	ssyncadd.s32 $0xFFFFC000  }
0x154: {  	_ =	swait.ge [sflag:s7], $0x4000  }
0x155: {  	[sflag:s7] =	ssyncset.done $0x0  }
0x156: {  	s8 =	sadd.s32 $0x1, s8;
	[sflag:s7] =	ssyncadd.s32 $0xFFFFC000  }
0x157: {  	p0 =	sne.s32 s8, s19;
	_ =	swait.ge [sflag:s21], $0x4000  }
.Ltmp8:
0x158: {  	[sflag:s21] =	ssyncset.done $0x0;
	(pc) =	sbr.rel @p0 .LBB2_1-.Ltmp8, $4  }
0x159: {  	[sflag:s21] =	ssyncadd.s32 $0xFFFFC000  }
0x15a: {  	_ =	swait.ge [sflag:s28], $0x4000  }
0x15b: {  	[sflag:s28] =	ssyncset.done $0x0  }
0x15c: {  	[sflag:s28] =	ssyncadd.s32 $0xFFFFC000  }
0x15d: {  	_ =	sfence.sel $0x180000  }
0x15e: {  	[bflag:$0x0] =	sbarrier.arrive $0xFFFF  }
0x15f: {  	_ =	strace $0x90000047  }
0x160: {  	s0 =	stileid.u32;
	[bflag:$0x2] =	sbarrier.arrive $0xFFFF  }
0x161: {  	p0 =	sne.s32 s0, $0x0;
	s0 =	rddreg [dreg:$0x2]  }
0x162: {  	s0 =	sadd.s32 @!p0 $0x100000, s0  }
0x163: {  	[sflag:s0] =	ssyncadd.tile.s32 @!p0 $0x1;
	_ =	shalt  }
.Lfunc_end2:
_tile_overlayer_lowered:
.L_overlay_start_2:
0x164: {  	(tag) =	ssettag $0x2  }
0x165: {  	s0 =	rddreg [dreg:$0x0];
	s2 =	stileid.u32  }
0x166: {  	s1 =	rddreg [dreg:$0x1];
	p0 =	sne.s32 s2, $0x0  }
0x167: {  	s3 =	rddreg [dreg:$0x2];
	[bflag:$0x3] =	sbarrier.arrive $0xFFFF;
	s2 =	simm.s32 @!p0 $0x1C0F  }
0x168: {  	[timem:s3], [sflag:s2] =	dma.local @!p0 [hbm:s0], s1  }
0x169: {  	s0 =	simm.s32 @!p0 $0xF  }
0x16a: {  	_ =	swait.ge @!p0 [sflag:s0], s1  }
0x16b: {  	s1 =	ssub.s32 @!p0 $0x0, s1;
	[sflag:s0] =	ssyncset.done @!p0 $0x0  }
0x16c: {  	[sflag:s0] =	ssyncadd.s32 @!p0 s1  }
0x16d: {  	[bflag:$0x3] =	sbarrier.arrive $0xFFFF  }
0x16e: {  	_ =	shalt  }

</sc_bundles>
